<compile_context>
chip_gen: v7x
topology: tpu7x:2x2x1
jax: 0.10.2.dev20260603
libtpu: 0.0.44.dev20260713+nightly
codegen_flags: <defaults>
</compile_context>

<pallas_src>
import jax
import jax.numpy as jnp
from jax import lax
from jax.experimental import pallas as pl
from jax.experimental.pallas import tpu as pltpu
from jax.experimental.pallas import tpu_sc as plsc

N = 10000
E = 320000
C = 128
S = 5
NB = 8
L = 2
RMAX = 5.0
AVG = 32.0
SH = 4

NP = 10240

NC, NS = 2, 16
NW = NC * NS
EW = E // NW
CH = 80
NCH = EW // CH
RT = NP // NS
ZR = 160

import functools


@functools.cache
def _sc_mesh():
    return plsc.VectorSubcoreMesh(
        core_axis_name="c", subcore_axis_name="s",
        num_cores=NC, num_subcores=NS)



def _gather_body(feats_hbm, senders_hbm, g_hbm, idx_v, rows_v, sem):
    cid = lax.axis_index("c")
    sid = lax.axis_index("s")
    wid = sid * NC + cid

    def body(k, carry):
        base = wid * EW + k * CH
        pltpu.sync_copy(senders_hbm.at[pl.ds(base, CH)], idx_v)
        pltpu.async_copy(feats_hbm.at[idx_v], rows_v, sem).wait()
        pltpu.sync_copy(rows_v, g_hbm.at[pl.ds(base, CH), :])
        return carry

    lax.fori_loop(0, NCH, body, 0)


@functools.cache
def _gather_kernel():
    return pl.kernel(
        _gather_body,
        out_type=jax.ShapeDtypeStruct((E, C), jnp.float32),
        mesh=_sc_mesh(),
        scratch_types=[
            pltpu.VMEM((CH,), jnp.int32),
            pltpu.VMEM((CH, C), jnp.float32),
            pltpu.SemaphoreType.DMA,
        ],
    )



def _scatter_body(q_hbm, recv_hbm, zeros_hbm, acc2_hbm,
                  idx_v, rows_v, stage_v, acc_sh, sem):
    cid = lax.axis_index("c")
    sid = lax.axis_index("s")
    wid = sid * NC + cid
    row0 = sid * RT

    pltpu.sync_copy(zeros_hbm, stage_v)
    for j in range(RT // ZR):
        pltpu.sync_copy(stage_v, acc_sh.at[pl.ds(row0 + j * ZR, ZR), :])
    plsc.subcore_barrier()

    def body(k, carry):
        base = wid * EW + k * CH
        pltpu.sync_copy(recv_hbm.at[pl.ds(base, CH)], idx_v)
        pltpu.sync_copy(q_hbm.at[pl.ds(base, CH), :], rows_v)
        pltpu.sync_copy(rows_v, acc_sh.at[idx_v], add=True)
        return carry

    lax.fori_loop(0, NCH, body, 0)
    plsc.subcore_barrier()

    for j in range(RT // ZR):
        r0 = row0 + j * ZR
        pltpu.sync_copy(acc_sh.at[pl.ds(r0, ZR), :], stage_v)
        pltpu.sync_copy(stage_v, acc2_hbm.at[cid, pl.ds(r0, ZR), :])


@functools.cache
def _scatter_kernel():
    return pl.kernel(
        _scatter_body,
        out_type=jax.ShapeDtypeStruct((NC, NP, C), jnp.float32),
        mesh=_sc_mesh(),
        scratch_types=[
            pltpu.VMEM((CH,), jnp.int32),
            pltpu.VMEM((CH, C), jnp.float32),
            pltpu.VMEM((ZR, C), jnp.float32),
            pltpu.VMEM_SHARED((NP, C), jnp.float32),
            pltpu.SemaphoreType.DMA,
        ],
    )



BE = 2560
BN = 1024


def _edge_body(v_ref, g_ref, wr_ref, wmix_ref, q_ref):
    v = v_ref[...]
    r2 = jnp.sum(v * v, axis=1, keepdims=True) + 1e-12
    r = jnp.sqrt(r2)
    inv_r = 1.0 / r
    u = v * inv_r
    nvec = (lax.broadcasted_iota(jnp.int32, (1, NB), 1) + 1).astype(jnp.float32)
    arg = (r * (jnp.pi / RMAX)) * nvec
    bessel = jnp.sqrt(2.0 / RMAX) * jnp.sin(arg) * inv_r
    x = r * (1.0 / RMAX)
    x5 = x * x * x * x * x
    env = jnp.where(x < 1.0, 1.0 - 21.0 * x5 + 35.0 * x5 * x - 15.0 * x5 * x * x, 0.0)
    radial = bessel * env
    rw_lin = jnp.dot(radial, wr_ref[...], preferred_element_type=jnp.float32)
    rw = rw_lin * jax.nn.sigmoid(rw_lin)
    m = g_ref[...] * rw
    q = jnp.dot(m, wmix_ref[0], preferred_element_type=jnp.float32)
    for s in range(SH - 1):
        q = q + jnp.dot(m, wmix_ref[s + 1],
                        preferred_element_type=jnp.float32) * u[:, s:s + 1]
    q_ref[...] = q


def _edge_tc(vpad, g, wr, wmix4):
    return pl.pallas_call(
        _edge_body,
        grid=(E // BE,),
        in_specs=[
            pl.BlockSpec((BE, 4), lambda i: (i, 0)),
            pl.BlockSpec((BE, C), lambda i: (i, 0)),
            pl.BlockSpec((NB, C), lambda i: (0, 0)),
            pl.BlockSpec((SH, C, C), lambda i: (0, 0, 0)),
        ],
        out_specs=pl.BlockSpec((BE, C), lambda i: (i, 0)),
        out_shape=jax.ShapeDtypeStruct((E, C), jnp.float32),
    )(vpad, g, wr, wmix4)


def _node_body(acc_ref, oh_ref, wsp_ref, wread_ref, feats_ref, out_ref):
    a = (acc_ref[0] + acc_ref[1]) * (1.0 / AVG)
    hs = jnp.dot(oh_ref[...], wsp_ref[...], preferred_element_type=jnp.float32)
    h = a * hs
    feats = h + 0.5 * h * h + (1.0 / 6.0) * h * h * h
    feats_ref[...] = feats
    out_ref[...] = jnp.sum(feats * wread_ref[...], axis=1, keepdims=True)


def _node_tc(acc2, oh, wsp, wread):
    return pl.pallas_call(
        _node_body,
        grid=(NP // BN,),
        in_specs=[
            pl.BlockSpec((NC, BN, C), lambda i: (0, i, 0)),
            pl.BlockSpec((BN, 8), lambda i: (i, 0)),
            pl.BlockSpec((8, C), lambda i: (0, 0)),
            pl.BlockSpec((1, C), lambda i: (0, 0)),
        ],
        out_specs=[
            pl.BlockSpec((BN, C), lambda i: (i, 0)),
            pl.BlockSpec((BN, 1), lambda i: (i, 0)),
        ],
        out_shape=[
            jax.ShapeDtypeStruct((NP, C), jnp.float32),
            jax.ShapeDtypeStruct((NP, 1), jnp.float32),
        ],
    )(acc2, oh, wsp, wread)


def _embed_body(oh_ref, emb_ref, f_ref):
    f_ref[...] = jnp.dot(oh_ref[...], emb_ref[...],
                         preferred_element_type=jnp.float32)


def _embed_tc(oh, emb8):
    return pl.pallas_call(
        _embed_body,
        grid=(NP // BN,),
        in_specs=[
            pl.BlockSpec((BN, 8), lambda i: (i, 0)),
            pl.BlockSpec((8, C), lambda i: (0, 0)),
        ],
        out_specs=pl.BlockSpec((BN, C), lambda i: (i, 0)),
        out_shape=jax.ShapeDtypeStruct((NP, C), jnp.float32),
    )(oh, emb8)



def kernel(vectors, node_specie, senders, receivers, embed, W_r, W_mix, W_sp, W_read):
    f32 = jnp.float32
    vpad = jnp.concatenate([vectors, jnp.zeros((E, 1), f32)], axis=1)
    senders = senders.astype(jnp.int32)
    receivers = receivers.astype(jnp.int32)
    sp = jnp.concatenate(
        [node_specie.astype(jnp.int32), jnp.zeros((NP - N,), jnp.int32)])
    oh = (sp[:, None] == jnp.arange(8, dtype=jnp.int32)[None, :]).astype(f32)
    emb8 = jnp.zeros((8, C), f32).at[:S].set(embed)
    wsp8 = jnp.zeros((L, 8, C), f32).at[:, :S].set(W_sp)
    wmix = W_mix.reshape(L, C, SH, C).transpose(0, 2, 1, 3)
    wread = W_read.transpose(0, 2, 1)
    zeros_zr = jnp.zeros((ZR, C), f32)

    feats = _embed_tc(oh, emb8)
    outs = []
    for l in range(L):
        g = _gather_kernel()(feats, senders)
        q = _edge_tc(vpad, g, W_r[l], wmix[l])
        acc2 = _scatter_kernel()(q, receivers, zeros_zr)
        feats, o = _node_tc(acc2, oh, wsp8[l], wread[l])
        outs.append(o)
    return jnp.concatenate(outs, axis=1)[:N]

# --- scband reference (transcript-rebuilt; emitter-appended) ---
"""Pipeline reference for scband-macenet-81200651698608 (READ-ONLY COPY).

The authoritative reference and input builder live on the scoring server;
editing this copy changes nothing except your own understanding.
"""

import jax, jax.numpy as jnp
import numpy as np

N = 10000
E = 320000
C = 128
S = 5
NB = 8
L = 2
RMAX = 5.0
AVG = 32.0
SH = 4  # l=0 (1) + l=1 (3) spherical-harmonic components


def setup_inputs(seed: int = 0):
    key = jax.random.key(seed)
    ks = jax.random.split(key, 9)
    vectors = jax.random.normal(ks[0], (E, 3), jnp.float32)
    node_specie = jax.random.randint(ks[1], (N,), 0, S)
    senders = jax.random.randint(ks[2], (E,), 0, N)
    receivers = jax.random.randint(ks[3], (E,), 0, N)
    embed = jax.random.normal(ks[4], (S, C), jnp.float32) * 0.1
    W_r = jax.random.normal(ks[5], (L, NB, C), jnp.float32) * 0.1
    W_mix = jax.random.normal(ks[6], (L, C * SH, C), jnp.float32) * 0.05
    W_sp = jax.random.normal(ks[7], (L, S, C), jnp.float32) * 0.1
    W_read = jax.random.normal(ks[8], (L, C, 1), jnp.float32) * 0.1
    return {
        'vectors': vectors,
        'node_specie': node_specie,
        'senders': senders,
        'receivers': receivers,
        'embed': embed,
        'W_r': W_r,
        'W_mix': W_mix,
        'W_sp': W_sp,
        'W_read': W_read,
    }


def reference(vectors, node_specie, senders, receivers, embed, W_r, W_mix, W_sp, W_read):
    # radial embedding: bessel basis * polynomial envelope (p=5)
    r = jnp.sqrt(jnp.sum(vectors * vectors, axis=-1) + 1e-12)
    u = vectors / r[:, None]
    sh = jnp.concatenate([jnp.ones((vectors.shape[0], 1), vectors.dtype), u], axis=1)  # [E, 4]
    n = jnp.arange(1, NB + 1, dtype=vectors.dtype)
    bessel = jnp.sqrt(2.0 / RMAX) * jnp.sin(n[None, :] * jnp.pi * r[:, None] / RMAX) / r[:, None]
    x = r / RMAX
    env = jnp.where(x < 1.0, 1.0 - 21.0 * x**5 + 35.0 * x**6 - 15.0 * x**7, 0.0)
    radial = bessel * env[:, None]  # [E, NB]

    # node embedding (species one-hot -> linear == table lookup)
    feats = embed[node_specie]  # [N, C]

    outs = []
    for l in range(L):
        # InteractionBlock: radial MLP weights * gathered sender feats, tensored with SH
        Rw = jax.nn.silu(radial @ W_r[l])          # [E, C]
        m = jnp.take(feats, senders, axis=0) * Rw  # gather [E, C]
        msg = m[:, :, None] * sh[:, None, :]       # [E, C, SH]
        agg = jax.ops.segment_sum(msg, receivers, num_segments=N) / AVG  # scatter-add [N, C, SH]
        # linear mix across irrep components back to channel space
        h = agg.reshape(N, C * SH) @ W_mix[l]      # [N, C]
        # species-selector tensor product (FullyConnectedTensorProduct with one-hot attrs)
        h = h * W_sp[l][node_specie]               # [N, C]
        # EquivariantProductBasisBlock, correlation=3 -> symmetric powers up to 3
        feats = h + 0.5 * h * h + (1.0 / 6.0) * h * h * h
        # LinearReadoutBlock
        outs.append(feats @ W_read[l])             # [N, 1]
    out = jnp.concatenate(outs, axis=1)            # [N, L]
    return out

if __name__ == "__main__":
    import jax
    _d = setup_inputs()
    print(jax.jit(kernel)(*tuple(_d.values())))

</pallas_src>

<mosaic_0001>
#map = affine_map<(d0, d1) -> (0, 0)>
#map1 = affine_map<(d0, d1) -> (0)>
module attributes {stable_mosaic.version = 14 : i64} {
  func.func @_gather_body(%arg0: i32, %arg1: i32, %arg2: memref<10240x128xf32, #tpu.memory_space<hbm>>, %arg3: memref<320000xi32, #tpu.memory_space<hbm>>, %arg4: memref<320000x128xf32, #tpu.memory_space<hbm>>, %arg5: memref<80xi32, #tpu.memory_space<vmem>>, %arg6: memref<80x128xf32, #tpu.memory_space<vmem>>, %arg7: memref<!tpu.dma_semaphore, #tpu.memory_space<semaphore_mem>>) attributes {dimension_semantics = [#tpu.dimension_semantics<core_parallel>, #tpu.dimension_semantics<subcore_parallel>], iteration_bounds = array<i64: 2, 16>, scalar_prefetch = 0 : i64, scratch_operands = 3 : i64, tpu.core_type = #tpu.core_type<sc_vector_subcore>, window_params = [{transform_indices = #map}, {transform_indices = #map1}, {transform_indices = #map}]} {
    %mul3A = arith.constant 2 : i32
    %mul3A_0 = arith.muli %arg1, %mul3A : i32
    %add3A = arith.addi %mul3A_0, %arg0 : i32
    %scan3A = arith.constant 0 : i32
    %scan3A_1 = arith.constant 0 : i32
    %scan3A_2 = arith.constant 125 : i32
    %scan3A_3 = arith.addi %scan3A_1, %scan3A_2 : i32
    %scan3A_4 = arith.constant 1 : i32
    scf.for %scan3A_6 = %scan3A_1 to %scan3A_3 step %scan3A_4  : i32 {
      %mul3A_7 = arith.constant 10000 : i32
      %mul3A_8 = arith.muli %add3A, %mul3A_7 : i32
      %mul3A_9 = arith.constant 80 : i32
      %mul3A_10 = arith.muli %scan3A_6, %mul3A_9 : i32
      %add3A_11 = arith.addi %mul3A_8, %mul3A_10 : i32
      "tpu.region"() ({
        %run_scoped3A = tpu.sem_alloc : memref<!tpu.dma_semaphore, #tpu.memory_space<semaphore_mem>>
        %dma_start3A_16 = tpu.memref_slice %arg3[%add3A_11] : memref<320000xi32, #tpu.memory_space<hbm>> -> memref<80xi32, #tpu.memory_space<hbm>>
        %dma_start3A_17 = tpu.memref_slice %arg3[%add3A_11] : memref<320000xi32, #tpu.memory_space<hbm>> -> memref<80xi32, #tpu.memory_space<hbm>>
        tpu.enqueue_dma source(%dma_start3A_17 : memref<80xi32, #tpu.memory_space<hbm>>) target(%arg5 : memref<80xi32, #tpu.memory_space<vmem>>) target_semaphore(%run_scoped3A : memref<!tpu.dma_semaphore, #tpu.memory_space<semaphore_mem>>)
        %dma_wait3A_18 = tpu.memref_slice %arg3[%add3A_11] : memref<320000xi32, #tpu.memory_space<hbm>> -> memref<80xi32, #tpu.memory_space<hbm>>
        %dma_wait3A_19 = tpu.memref_slice %arg3[%add3A_11] : memref<320000xi32, #tpu.memory_space<hbm>> -> memref<80xi32, #tpu.memory_space<hbm>>
        tpu.wait_dma2 semaphore(%run_scoped3A : memref<!tpu.dma_semaphore, #tpu.memory_space<semaphore_mem>>) src(%dma_wait3A_19 : memref<80xi32, #tpu.memory_space<hbm>>) dst(%arg5 : memref<80xi32, #tpu.memory_space<vmem>>)
        tpu.yield
      }) : () -> ()
      %dma_start3A = arith.constant 0 : i32
      %dma_start3A_12 = arith.constant 0 : i32
      %dma_start3A_13 = tpu.memref_slice %arg2[%dma_start3A, %dma_start3A_12] : memref<10240x128xf32, #tpu.memory_space<hbm>> -> memref<10240x128xf32, #tpu.memory_space<hbm>>
      tpu.enqueue_indirect_dma source(%dma_start3A_13 : memref<10240x128xf32, #tpu.memory_space<hbm>>) target(%arg6 : memref<80x128xf32, #tpu.memory_space<vmem>>) offsets(%arg5 : memref<80xi32, #tpu.memory_space<vmem>>) semaphore(%arg7 : memref<!tpu.dma_semaphore, #tpu.memory_space<semaphore_mem>>)
      %dma_wait3A = arith.constant 0 : i32
      %dma_wait3A_14 = arith.constant 0 : i32
      %dma_wait3A_15 = tpu.memref_slice %arg2[%dma_wait3A, %dma_wait3A_14] : memref<10240x128xf32, #tpu.memory_space<hbm>> -> memref<10240x128xf32, #tpu.memory_space<hbm>>
      tpu.wait_indirect_dma semaphore(%arg7 : memref<!tpu.dma_semaphore, #tpu.memory_space<semaphore_mem>>) src(%dma_wait3A_15 : memref<10240x128xf32, #tpu.memory_space<hbm>>) dst(%arg6 : memref<80x128xf32, #tpu.memory_space<vmem>>)
      "tpu.region"() ({
        %run_scoped3A = tpu.sem_alloc : memref<!tpu.dma_semaphore, #tpu.memory_space<semaphore_mem>>
        %dma_start3A_16 = arith.constant 0 : i32
        %dma_start3A_17 = tpu.memref_slice %arg4[%add3A_11, %dma_start3A_16] : memref<320000x128xf32, #tpu.memory_space<hbm>> -> memref<80x128xf32, #tpu.memory_space<hbm>>
        %dma_start3A_18 = arith.constant 0 : i32
        %dma_start3A_19 = tpu.memref_slice %arg4[%add3A_11, %dma_start3A_18] : memref<320000x128xf32, #tpu.memory_space<hbm>> -> memref<80x128xf32, #tpu.memory_space<hbm>>
        tpu.enqueue_dma source(%arg6 : memref<80x128xf32, #tpu.memory_space<vmem>>) target(%dma_start3A_19 : memref<80x128xf32, #tpu.memory_space<hbm>>) target_semaphore(%run_scoped3A : memref<!tpu.dma_semaphore, #tpu.memory_space<semaphore_mem>>)
        %dma_wait3A_20 = arith.constant 0 : i32
        %dma_wait3A_21 = tpu.memref_slice %arg4[%add3A_11, %dma_wait3A_20] : memref<320000x128xf32, #tpu.memory_space<hbm>> -> memref<80x128xf32, #tpu.memory_space<hbm>>
        %dma_wait3A_22 = arith.constant 0 : i32
        %dma_wait3A_23 = tpu.memref_slice %arg4[%add3A_11, %dma_wait3A_22] : memref<320000x128xf32, #tpu.memory_space<hbm>> -> memref<80x128xf32, #tpu.memory_space<hbm>>
        tpu.wait_dma2 semaphore(%run_scoped3A : memref<!tpu.dma_semaphore, #tpu.memory_space<semaphore_mem>>) src(%arg6 : memref<80x128xf32, #tpu.memory_space<vmem>>) dst(%dma_wait3A_23 : memref<80x128xf32, #tpu.memory_space<hbm>>)
        tpu.yield
      }) : () -> ()
    }
    %scan3A_5 = arith.constant 125 : i32
    return
  }
}

#map = affine_map<(d0, d1) -> (0, 0)>
#map1 = affine_map<(d0, d1) -> (0)>
module attributes {stable_mosaic.version = 14 : i64} {
  func.func @_gather_body(%arg0: i32, %arg1: i32, %arg2: memref<10240x128xf32, #tpu.memory_space<hbm>>, %arg3: memref<320000xi32, #tpu.memory_space<hbm>>, %arg4: memref<320000x128xf32, #tpu.memory_space<hbm>>, %arg5: memref<80xi32, #tpu.memory_space<vmem>>, %arg6: memref<80x128xf32, #tpu.memory_space<vmem>>, %arg7: memref<!tpu.dma_semaphore, #tpu.memory_space<semaphore_mem>>) attributes {dimension_semantics = [#tpu.dimension_semantics<core_parallel>, #tpu.dimension_semantics<subcore_parallel>], iteration_bounds = array<i64: 2, 16>, scalar_prefetch = 0 : i64, scratch_operands = 3 : i64, tpu.core_type = #tpu.core_type<sc_vector_subcore>, window_params = [{transform_indices = #map}, {transform_indices = #map1}, {transform_indices = #map}]} {
    %mul3A = arith.constant 2 : i32
    %mul3A_0 = arith.muli %arg1, %mul3A : i32
    %add3A = arith.addi %mul3A_0, %arg0 : i32
    %scan3A = arith.constant 0 : i32
    %scan3A_1 = arith.constant 0 : i32
    %scan3A_2 = arith.constant 125 : i32
    %scan3A_3 = arith.addi %scan3A_1, %scan3A_2 : i32
    %scan3A_4 = arith.constant 1 : i32
    scf.for %scan3A_6 = %scan3A_1 to %scan3A_3 step %scan3A_4  : i32 {
      %mul3A_7 = arith.constant 10000 : i32
      %mul3A_8 = arith.muli %add3A, %mul3A_7 : i32
      %mul3A_9 = arith.constant 80 : i32
      %mul3A_10 = arith.muli %scan3A_6, %mul3A_9 : i32
      %add3A_11 = arith.addi %mul3A_8, %mul3A_10 : i32
      "tpu.region"() ({
        %run_scoped3A = tpu.sem_alloc : memref<!tpu.dma_semaphore, #tpu.memory_space<semaphore_mem>>
        %dma_start3A_16 = tpu.memref_slice %arg3[%add3A_11] : memref<320000xi32, #tpu.memory_space<hbm>> -> memref<80xi32, #tpu.memory_space<hbm>>
        %dma_start3A_17 = tpu.memref_slice %arg3[%add3A_11] : memref<320000xi32, #tpu.memory_space<hbm>> -> memref<80xi32, #tpu.memory_space<hbm>>
        tpu.enqueue_dma source(%dma_start3A_17 : memref<80xi32, #tpu.memory_space<hbm>>) target(%arg5 : memref<80xi32, #tpu.memory_space<vmem>>) target_semaphore(%run_scoped3A : memref<!tpu.dma_semaphore, #tpu.memory_space<semaphore_mem>>)
        %dma_wait3A_18 = tpu.memref_slice %arg3[%add3A_11] : memref<320000xi32, #tpu.memory_space<hbm>> -> memref<80xi32, #tpu.memory_space<hbm>>
        %dma_wait3A_19 = tpu.memref_slice %arg3[%add3A_11] : memref<320000xi32, #tpu.memory_space<hbm>> -> memref<80xi32, #tpu.memory_space<hbm>>
        tpu.wait_dma2 semaphore(%run_scoped3A : memref<!tpu.dma_semaphore, #tpu.memory_space<semaphore_mem>>) src(%dma_wait3A_19 : memref<80xi32, #tpu.memory_space<hbm>>) dst(%arg5 : memref<80xi32, #tpu.memory_space<vmem>>)
        tpu.yield
      }) : () -> ()
      %dma_start3A = arith.constant 0 : i32
      %dma_start3A_12 = arith.constant 0 : i32
      %dma_start3A_13 = tpu.memref_slice %arg2[%dma_start3A, %dma_start3A_12] : memref<10240x128xf32, #tpu.memory_space<hbm>> -> memref<10240x128xf32, #tpu.memory_space<hbm>>
      tpu.enqueue_indirect_dma source(%dma_start3A_13 : memref<10240x128xf32, #tpu.memory_space<hbm>>) target(%arg6 : memref<80x128xf32, #tpu.memory_space<vmem>>) offsets(%arg5 : memref<80xi32, #tpu.memory_space<vmem>>) semaphore(%arg7 : memref<!tpu.dma_semaphore, #tpu.memory_space<semaphore_mem>>)
      %dma_wait3A = arith.constant 0 : i32
      %dma_wait3A_14 = arith.constant 0 : i32
      %dma_wait3A_15 = tpu.memref_slice %arg2[%dma_wait3A, %dma_wait3A_14] : memref<10240x128xf32, #tpu.memory_space<hbm>> -> memref<10240x128xf32, #tpu.memory_space<hbm>>
      tpu.wait_indirect_dma semaphore(%arg7 : memref<!tpu.dma_semaphore, #tpu.memory_space<semaphore_mem>>) src(%dma_wait3A_15 : memref<10240x128xf32, #tpu.memory_space<hbm>>) dst(%arg6 : memref<80x128xf32, #tpu.memory_space<vmem>>)
      "tpu.region"() ({
        %run_scoped3A = tpu.sem_alloc : memref<!tpu.dma_semaphore, #tpu.memory_space<semaphore_mem>>
        %dma_start3A_16 = arith.constant 0 : i32
        %dma_start3A_17 = tpu.memref_slice %arg4[%add3A_11, %dma_start3A_16] : memref<320000x128xf32, #tpu.memory_space<hbm>> -> memref<80x128xf32, #tpu.memory_space<hbm>>
        %dma_start3A_18 = arith.constant 0 : i32
        %dma_start3A_19 = tpu.memref_slice %arg4[%add3A_11, %dma_start3A_18] : memref<320000x128xf32, #tpu.memory_space<hbm>> -> memref<80x128xf32, #tpu.memory_space<hbm>>
        tpu.enqueue_dma source(%arg6 : memref<80x128xf32, #tpu.memory_space<vmem>>) target(%dma_start3A_19 : memref<80x128xf32, #tpu.memory_space<hbm>>) target_semaphore(%run_scoped3A : memref<!tpu.dma_semaphore, #tpu.memory_space<semaphore_mem>>)
        %dma_wait3A_20 = arith.constant 0 : i32
        %dma_wait3A_21 = tpu.memref_slice %arg4[%add3A_11, %dma_wait3A_20] : memref<320000x128xf32, #tpu.memory_space<hbm>> -> memref<80x128xf32, #tpu.memory_space<hbm>>
        %dma_wait3A_22 = arith.constant 0 : i32
        %dma_wait3A_23 = tpu.memref_slice %arg4[%add3A_11, %dma_wait3A_22] : memref<320000x128xf32, #tpu.memory_space<hbm>> -> memref<80x128xf32, #tpu.memory_space<hbm>>
        tpu.wait_dma2 semaphore(%run_scoped3A : memref<!tpu.dma_semaphore, #tpu.memory_space<semaphore_mem>>) src(%arg6 : memref<80x128xf32, #tpu.memory_space<vmem>>) dst(%dma_wait3A_23 : memref<80x128xf32, #tpu.memory_space<hbm>>)
        tpu.yield
      }) : () -> ()
    }
    %scan3A_5 = arith.constant 125 : i32
    return
  }
}

#map = affine_map<(d0, d1) -> (0, 0)>
#map1 = affine_map<(d0, d1) -> (0)>
#map2 = affine_map<(d0, d1) -> (0, 0, 0)>
module attributes {stable_mosaic.version = 14 : i64} {
  func.func @_scatter_body(%arg0: i32, %arg1: i32, %arg2: memref<320000x128xf32, #tpu.memory_space<hbm>>, %arg3: memref<320000xi32, #tpu.memory_space<hbm>>, %arg4: memref<160x128xf32, #tpu.memory_space<hbm>>, %arg5: memref<2x10240x128xf32, #tpu.memory_space<hbm>>, %arg6: memref<80xi32, #tpu.memory_space<vmem>>, %arg7: memref<80x128xf32, #tpu.memory_space<vmem>>, %arg8: memref<160x128xf32, #tpu.memory_space<vmem>>, %arg9: memref<10240x128xf32, #tpu.memory_space<vmem_shared>>, %arg10: memref<!tpu.dma_semaphore, #tpu.memory_space<semaphore_mem>>) attributes {dimension_semantics = [#tpu.dimension_semantics<core_parallel>, #tpu.dimension_semantics<subcore_parallel>], iteration_bounds = array<i64: 2, 16>, scalar_prefetch = 0 : i64, scratch_operands = 5 : i64, tpu.core_type = #tpu.core_type<sc_vector_subcore>, window_params = [{transform_indices = #map}, {transform_indices = #map1}, {transform_indices = #map}, {transform_indices = #map2}]} {
    %mul3A = arith.constant 2 : i32
    %mul3A_0 = arith.muli %arg1, %mul3A : i32
    %add3A = arith.addi %mul3A_0, %arg0 : i32
    %mul3A_1 = arith.constant 640 : i32
    %mul3A_2 = arith.muli %arg1, %mul3A_1 : i32
    "tpu.region"() ({
      %run_scoped3A = tpu.sem_alloc : memref<!tpu.dma_semaphore, #tpu.memory_space<semaphore_mem>>
      tpu.enqueue_dma source(%arg4 : memref<160x128xf32, #tpu.memory_space<hbm>>) target(%arg8 : memref<160x128xf32, #tpu.memory_space<vmem>>) target_semaphore(%run_scoped3A : memref<!tpu.dma_semaphore, #tpu.memory_space<semaphore_mem>>)
      tpu.wait_dma2 semaphore(%run_scoped3A : memref<!tpu.dma_semaphore, #tpu.memory_space<semaphore_mem>>) src(%arg4 : memref<160x128xf32, #tpu.memory_space<hbm>>) dst(%arg8 : memref<160x128xf32, #tpu.memory_space<vmem>>)
      tpu.yield
    }) : () -> ()
    %add3A_3 = arith.constant 0 : i32
    %add3A_4 = arith.addi %mul3A_2, %add3A_3 : i32
    "tpu.region"() ({
      %run_scoped3A = tpu.sem_alloc : memref<!tpu.dma_semaphore, #tpu.memory_space<semaphore_mem>>
      %dma_start3A = arith.constant 0 : i32
      %dma_start3A_25 = tpu.memref_slice %arg9[%add3A_4, %dma_start3A] : memref<10240x128xf32, #tpu.memory_space<vmem_shared>> -> memref<160x128xf32, #tpu.memory_space<vmem_shared>>
      %dma_start3A_26 = arith.constant 0 : i32
      %dma_start3A_27 = tpu.memref_slice %arg9[%add3A_4, %dma_start3A_26] : memref<10240x128xf32, #tpu.memory_space<vmem_shared>> -> memref<160x128xf32, #tpu.memory_space<vmem_shared>>
      tpu.enqueue_dma source(%arg8 : memref<160x128xf32, #tpu.memory_space<vmem>>) target(%dma_start3A_27 : memref<160x128xf32, #tpu.memory_space<vmem_shared>>) target_semaphore(%run_scoped3A : memref<!tpu.dma_semaphore, #tpu.memory_space<semaphore_mem>>)
      %dma_wait3A = arith.constant 0 : i32
      %dma_wait3A_28 = tpu.memref_slice %arg9[%add3A_4, %dma_wait3A] : memref<10240x128xf32, #tpu.memory_space<vmem_shared>> -> memref<160x128xf32, #tpu.memory_space<vmem_shared>>
      %dma_wait3A_29 = arith.constant 0 : i32
      %dma_wait3A_30 = tpu.memref_slice %arg9[%add3A_4, %dma_wait3A_29] : memref<10240x128xf32, #tpu.memory_space<vmem_shared>> -> memref<160x128xf32, #tpu.memory_space<vmem_shared>>
      tpu.wait_dma2 semaphore(%run_scoped3A : memref<!tpu.dma_semaphore, #tpu.memory_space<semaphore_mem>>) src(%arg8 : memref<160x128xf32, #tpu.memory_space<vmem>>) dst(%dma_wait3A_30 : memref<160x128xf32, #tpu.memory_space<vmem_shared>>)
      tpu.yield
    }) : () -> ()
    %add3A_5 = arith.constant 160 : i32
    %add3A_6 = arith.addi %mul3A_2, %add3A_5 : i32
    "tpu.region"() ({
      %run_scoped3A = tpu.sem_alloc : memref<!tpu.dma_semaphore, #tpu.memory_space<semaphore_mem>>
      %dma_start3A = arith.constant 0 : i32
      %dma_start3A_25 = tpu.memref_slice %arg9[%add3A_6, %dma_start3A] : memref<10240x128xf32, #tpu.memory_space<vmem_shared>> -> memref<160x128xf32, #tpu.memory_space<vmem_shared>>
      %dma_start3A_26 = arith.constant 0 : i32
      %dma_start3A_27 = tpu.memref_slice %arg9[%add3A_6, %dma_start3A_26] : memref<10240x128xf32, #tpu.memory_space<vmem_shared>> -> memref<160x128xf32, #tpu.memory_space<vmem_shared>>
      tpu.enqueue_dma source(%arg8 : memref<160x128xf32, #tpu.memory_space<vmem>>) target(%dma_start3A_27 : memref<160x128xf32, #tpu.memory_space<vmem_shared>>) target_semaphore(%run_scoped3A : memref<!tpu.dma_semaphore, #tpu.memory_space<semaphore_mem>>)
      %dma_wait3A = arith.constant 0 : i32
      %dma_wait3A_28 = tpu.memref_slice %arg9[%add3A_6, %dma_wait3A] : memref<10240x128xf32, #tpu.memory_space<vmem_shared>> -> memref<160x128xf32, #tpu.memory_space<vmem_shared>>
      %dma_wait3A_29 = arith.constant 0 : i32
      %dma_wait3A_30 = tpu.memref_slice %arg9[%add3A_6, %dma_wait3A_29] : memref<10240x128xf32, #tpu.memory_space<vmem_shared>> -> memref<160x128xf32, #tpu.memory_space<vmem_shared>>
      tpu.wait_dma2 semaphore(%run_scoped3A : memref<!tpu.dma_semaphore, #tpu.memory_space<semaphore_mem>>) src(%arg8 : memref<160x128xf32, #tpu.memory_space<vmem>>) dst(%dma_wait3A_30 : memref<160x128xf32, #tpu.memory_space<vmem_shared>>)
      tpu.yield
    }) : () -> ()
    %add3A_7 = arith.constant 320 : i32
    %add3A_8 = arith.addi %mul3A_2, %add3A_7 : i32
    "tpu.region"() ({
      %run_scoped3A = tpu.sem_alloc : memref<!tpu.dma_semaphore, #tpu.memory_space<semaphore_mem>>
      %dma_start3A = arith.constant 0 : i32
      %dma_start3A_25 = tpu.memref_slice %arg9[%add3A_8, %dma_start3A] : memref<10240x128xf32, #tpu.memory_space<vmem_shared>> -> memref<160x128xf32, #tpu.memory_space<vmem_shared>>
      %dma_start3A_26 = arith.constant 0 : i32
      %dma_start3A_27 = tpu.memref_slice %arg9[%add3A_8, %dma_start3A_26] : memref<10240x128xf32, #tpu.memory_space<vmem_shared>> -> memref<160x128xf32, #tpu.memory_space<vmem_shared>>
      tpu.enqueue_dma source(%arg8 : memref<160x128xf32, #tpu.memory_space<vmem>>) target(%dma_start3A_27 : memref<160x128xf32, #tpu.memory_space<vmem_shared>>) target_semaphore(%run_scoped3A : memref<!tpu.dma_semaphore, #tpu.memory_space<semaphore_mem>>)
      %dma_wait3A = arith.constant 0 : i32
      %dma_wait3A_28 = tpu.memref_slice %arg9[%add3A_8, %dma_wait3A] : memref<10240x128xf32, #tpu.memory_space<vmem_shared>> -> memref<160x128xf32, #tpu.memory_space<vmem_shared>>
      %dma_wait3A_29 = arith.constant 0 : i32
      %dma_wait3A_30 = tpu.memref_slice %arg9[%add3A_8, %dma_wait3A_29] : memref<10240x128xf32, #tpu.memory_space<vmem_shared>> -> memref<160x128xf32, #tpu.memory_space<vmem_shared>>
      tpu.wait_dma2 semaphore(%run_scoped3A : memref<!tpu.dma_semaphore, #tpu.memory_space<semaphore_mem>>) src(%arg8 : memref<160x128xf32, #tpu.memory_space<vmem>>) dst(%dma_wait3A_30 : memref<160x128xf32, #tpu.memory_space<vmem_shared>>)
      tpu.yield
    }) : () -> ()
    %add3A_9 = arith.constant 480 : i32
    %add3A_10 = arith.addi %mul3A_2, %add3A_9 : i32
    "tpu.region"() ({
      %run_scoped3A = tpu.sem_alloc : memref<!tpu.dma_semaphore, #tpu.memory_space<semaphore_mem>>
      %dma_start3A = arith.constant 0 : i32
      %dma_start3A_25 = tpu.memref_slice %arg9[%add3A_10, %dma_start3A] : memref<10240x128xf32, #tpu.memory_space<vmem_shared>> -> memref<160x128xf32, #tpu.memory_space<vmem_shared>>
      %dma_start3A_26 = arith.constant 0 : i32
      %dma_start3A_27 = tpu.memref_slice %arg9[%add3A_10, %dma_start3A_26] : memref<10240x128xf32, #tpu.memory_space<vmem_shared>> -> memref<160x128xf32, #tpu.memory_space<vmem_shared>>
      tpu.enqueue_dma source(%arg8 : memref<160x128xf32, #tpu.memory_space<vmem>>) target(%dma_start3A_27 : memref<160x128xf32, #tpu.memory_space<vmem_shared>>) target_semaphore(%run_scoped3A : memref<!tpu.dma_semaphore, #tpu.memory_space<semaphore_mem>>)
      %dma_wait3A = arith.constant 0 : i32
      %dma_wait3A_28 = tpu.memref_slice %arg9[%add3A_10, %dma_wait3A] : memref<10240x128xf32, #tpu.memory_space<vmem_shared>> -> memref<160x128xf32, #tpu.memory_space<vmem_shared>>
      %dma_wait3A_29 = arith.constant 0 : i32
      %dma_wait3A_30 = tpu.memref_slice %arg9[%add3A_10, %dma_wait3A_29] : memref<10240x128xf32, #tpu.memory_space<vmem_shared>> -> memref<160x128xf32, #tpu.memory_space<vmem_shared>>
      tpu.wait_dma2 semaphore(%run_scoped3A : memref<!tpu.dma_semaphore, #tpu.memory_space<semaphore_mem>>) src(%arg8 : memref<160x128xf32, #tpu.memory_space<vmem>>) dst(%dma_wait3A_30 : memref<160x128xf32, #tpu.memory_space<vmem_shared>>)
      tpu.yield
    }) : () -> ()
    %barrier3A = arith.constant 0 : index
    tpu.barrier barrier_id(%barrier3A)
    %scan3A = arith.constant 0 : i32
    %scan3A_11 = arith.constant 0 : i32
    %scan3A_12 = arith.constant 125 : i32
    %scan3A_13 = arith.addi %scan3A_11, %scan3A_12 : i32
    %scan3A_14 = arith.constant 1 : i32
    scf.for %scan3A_25 = %scan3A_11 to %scan3A_13 step %scan3A_14  : i32 {
      %mul3A_26 = arith.constant 10000 : i32
      %mul3A_27 = arith.muli %add3A, %mul3A_26 : i32
      %mul3A_28 = arith.constant 80 : i32
      %mul3A_29 = arith.muli %scan3A_25, %mul3A_28 : i32
      %add3A_30 = arith.addi %mul3A_27, %mul3A_29 : i32
      "tpu.region"() ({
        %run_scoped3A = tpu.sem_alloc : memref<!tpu.dma_semaphore, #tpu.memory_space<semaphore_mem>>
        %dma_start3A = tpu.memref_slice %arg3[%add3A_30] : memref<320000xi32, #tpu.memory_space<hbm>> -> memref<80xi32, #tpu.memory_space<hbm>>
        %dma_start3A_31 = tpu.memref_slice %arg3[%add3A_30] : memref<320000xi32, #tpu.memory_space<hbm>> -> memref<80xi32, #tpu.memory_space<hbm>>
        tpu.enqueue_dma source(%dma_start3A_31 : memref<80xi32, #tpu.memory_space<hbm>>) target(%arg6 : memref<80xi32, #tpu.memory_space<vmem>>) target_semaphore(%run_scoped3A : memref<!tpu.dma_semaphore, #tpu.memory_space<semaphore_mem>>)
        %dma_wait3A = tpu.memref_slice %arg3[%add3A_30] : memref<320000xi32, #tpu.memory_space<hbm>> -> memref<80xi32, #tpu.memory_space<hbm>>
        %dma_wait3A_32 = tpu.memref_slice %arg3[%add3A_30] : memref<320000xi32, #tpu.memory_space<hbm>> -> memref<80xi32, #tpu.memory_space<hbm>>
        tpu.wait_dma2 semaphore(%run_scoped3A : memref<!tpu.dma_semaphore, #tpu.memory_space<semaphore_mem>>) src(%dma_wait3A_32 : memref<80xi32, #tpu.memory_space<hbm>>) dst(%arg6 : memref<80xi32, #tpu.memory_space<vmem>>)
        tpu.yield
      }) : () -> ()
      "tpu.region"() ({
        %run_scoped3A = tpu.sem_alloc : memref<!tpu.dma_semaphore, #tpu.memory_space<semaphore_mem>>
        %dma_start3A = arith.constant 0 : i32
        %dma_start3A_31 = tpu.memref_slice %arg2[%add3A_30, %dma_start3A] : memref<320000x128xf32, #tpu.memory_space<hbm>> -> memref<80x128xf32, #tpu.memory_space<hbm>>
        %dma_start3A_32 = arith.constant 0 : i32
        %dma_start3A_33 = tpu.memref_slice %arg2[%add3A_30, %dma_start3A_32] : memref<320000x128xf32, #tpu.memory_space<hbm>> -> memref<80x128xf32, #tpu.memory_space<hbm>>
        tpu.enqueue_dma source(%dma_start3A_33 : memref<80x128xf32, #tpu.memory_space<hbm>>) target(%arg7 : memref<80x128xf32, #tpu.memory_space<vmem>>) target_semaphore(%run_scoped3A : memref<!tpu.dma_semaphore, #tpu.memory_space<semaphore_mem>>)
        %dma_wait3A = arith.constant 0 : i32
        %dma_wait3A_34 = tpu.memref_slice %arg2[%add3A_30, %dma_wait3A] : memref<320000x128xf32, #tpu.memory_space<hbm>> -> memref<80x128xf32, #tpu.memory_space<hbm>>
        %dma_wait3A_35 = arith.constant 0 : i32
        %dma_wait3A_36 = tpu.memref_slice %arg2[%add3A_30, %dma_wait3A_35] : memref<320000x128xf32, #tpu.memory_space<hbm>> -> memref<80x128xf32, #tpu.memory_space<hbm>>
        tpu.wait_dma2 semaphore(%run_scoped3A : memref<!tpu.dma_semaphore, #tpu.memory_space<semaphore_mem>>) src(%dma_wait3A_36 : memref<80x128xf32, #tpu.memory_space<hbm>>) dst(%arg7 : memref<80x128xf32, #tpu.memory_space<vmem>>)
        tpu.yield
      }) : () -> ()
      "tpu.region"() ({
        %run_scoped3A = tpu.sem_alloc : memref<!tpu.dma_semaphore, #tpu.memory_space<semaphore_mem>>
        %dma_start3A = arith.constant 0 : i32
        %dma_start3A_31 = arith.constant 0 : i32
        %dma_start3A_32 = tpu.memref_slice %arg9[%dma_start3A, %dma_start3A_31] : memref<10240x128xf32, #tpu.memory_space<vmem_shared>> -> memref<10240x128xf32, #tpu.memory_space<vmem_shared>>
        tpu.enqueue_indirect_dma source(%arg7 : memref<80x128xf32, #tpu.memory_space<vmem>>) target(%dma_start3A_32 : memref<10240x128xf32, #tpu.memory_space<vmem_shared>>) offsets(%arg6 : memref<80xi32, #tpu.memory_space<vmem>>) semaphore(%run_scoped3A : memref<!tpu.dma_semaphore, #tpu.memory_space<semaphore_mem>>) {add = true}
        %dma_wait3A = arith.constant 0 : i32
        %dma_wait3A_33 = arith.constant 0 : i32
        %dma_wait3A_34 = tpu.memref_slice %arg9[%dma_wait3A, %dma_wait3A_33] : memref<10240x128xf32, #tpu.memory_space<vmem_shared>> -> memref<10240x128xf32, #tpu.memory_space<vmem_shared>>
        tpu.wait_indirect_dma semaphore(%run_scoped3A : memref<!tpu.dma_semaphore, #tpu.memory_space<semaphore_mem>>) src(%arg7 : memref<80x128xf32, #tpu.memory_space<vmem>>) dst(%dma_wait3A_34 : memref<10240x128xf32, #tpu.memory_space<vmem_shared>>)
        tpu.yield
      }) : () -> ()
    }
    %scan3A_15 = arith.constant 125 : i32
    %barrier3A_16 = arith.constant 0 : index
    tpu.barrier barrier_id(%barrier3A_16)
    %add3A_17 = arith.constant 0 : i32
    %add3A_18 = arith.addi %mul3A_2, %add3A_17 : i32
    "tpu.region"() ({
      %run_scoped3A = tpu.sem_alloc : memref<!tpu.dma_semaphore, #tpu.memory_space<semaphore_mem>>
      %dma_start3A = arith.constant 0 : i32
      %dma_start3A_25 = tpu.memref_slice %arg9[%add3A_18, %dma_start3A] : memref<10240x128xf32, #tpu.memory_space<vmem_shared>> -> memref<160x128xf32, #tpu.memory_space<vmem_shared>>
      %dma_start3A_26 = arith.constant 0 : i32
      %dma_start3A_27 = tpu.memref_slice %arg9[%add3A_18, %dma_start3A_26] : memref<10240x128xf32, #tpu.memory_space<vmem_shared>> -> memref<160x128xf32, #tpu.memory_space<vmem_shared>>
      tpu.enqueue_dma source(%dma_start3A_27 : memref<160x128xf32, #tpu.memory_space<vmem_shared>>) target(%arg8 : memref<160x128xf32, #tpu.memory_space<vmem>>) target_semaphore(%run_scoped3A : memref<!tpu.dma_semaphore, #tpu.memory_space<semaphore_mem>>)
      %dma_wait3A = arith.constant 0 : i32
      %dma_wait3A_28 = tpu.memref_slice %arg9[%add3A_18, %dma_wait3A] : memref<10240x128xf32, #tpu.memory_space<vmem_shared>> -> memref<160x128xf32, #tpu.memory_space<vmem_shared>>
      %dma_wait3A_29 = arith.constant 0 : i32
      %dma_wait3A_30 = tpu.memref_slice %arg9[%add3A_18, %dma_wait3A_29] : memref<10240x128xf32, #tpu.memory_space<vmem_shared>> -> memref<160x128xf32, #tpu.memory_space<vmem_shared>>
      tpu.wait_dma2 semaphore(%run_scoped3A : memref<!tpu.dma_semaphore, #tpu.memory_space<semaphore_mem>>) src(%dma_wait3A_30 : memref<160x128xf32, #tpu.memory_space<vmem_shared>>) dst(%arg8 : memref<160x128xf32, #tpu.memory_space<vmem>>)
      tpu.yield
    }) : () -> ()
    "tpu.region"() ({
      %run_scoped3A = tpu.sem_alloc : memref<!tpu.dma_semaphore, #tpu.memory_space<semaphore_mem>>
      %dma_start3A = arith.constant 0 : i32
      %dma_start3A_25 = tpu.memref_slice %arg5[%arg0, %add3A_18, %dma_start3A] : memref<2x10240x128xf32, #tpu.memory_space<hbm>> -> memref<1x160x128xf32, #tpu.memory_space<hbm>>
      %dma_start3A_26 = tpu.memref_squeeze %dma_start3A_25 : memref<1x160x128xf32, #tpu.memory_space<hbm>> -> memref<160x128xf32, #tpu.memory_space<hbm>>
      %dma_start3A_27 = arith.constant 0 : i32
      %dma_start3A_28 = tpu.memref_slice %arg5[%arg0, %add3A_18, %dma_start3A_27] : memref<2x10240x128xf32, #tpu.memory_space<hbm>> -> memref<1x160x128xf32, #tpu.memory_space<hbm>>
      %dma_start3A_29 = tpu.memref_squeeze %dma_start3A_28 : memref<1x160x128xf32, #tpu.memory_space<hbm>> -> memref<160x128xf32, #tpu.memory_space<hbm>>
      tpu.enqueue_dma source(%arg8 : memref<160x128xf32, #tpu.memory_space<vmem>>) target(%dma_start3A_29 : memref<160x128xf32, #tpu.memory_space<hbm>>) target_semaphore(%run_scoped3A : memref<!tpu.dma_semaphore, #tpu.memory_space<semaphore_mem>>)
      %dma_wait3A = arith.constant 0 : i32
      %dma_wait3A_30 = tpu.memref_slice %arg5[%arg0, %add3A_18, %dma_wait3A] : memref<2x10240x128xf32, #tpu.memory_space<hbm>> -> memref<1x160x128xf32, #tpu.memory_space<hbm>>
      %dma_wait3A_31 = tpu.memref_squeeze %dma_wait3A_30 : memref<1x160x128xf32, #tpu.memory_space<hbm>> -> memref<160x128xf32, #tpu.memory_space<hbm>>
      %dma_wait3A_32 = arith.constant 0 : i32
      %dma_wait3A_33 = tpu.memref_slice %arg5[%arg0, %add3A_18, %dma_wait3A_32] : memref<2x10240x128xf32, #tpu.memory_space<hbm>> -> memref<1x160x128xf32, #tpu.memory_space<hbm>>
      %dma_wait3A_34 = tpu.memref_squeeze %dma_wait3A_33 : memref<1x160x128xf32, #tpu.memory_space<hbm>> -> memref<160x128xf32, #tpu.memory_space<hbm>>
      tpu.wait_dma2 semaphore(%run_scoped3A : memref<!tpu.dma_semaphore, #tpu.memory_space<semaphore_mem>>) src(%arg8 : memref<160x128xf32, #tpu.memory_space<vmem>>) dst(%dma_wait3A_34 : memref<160x128xf32, #tpu.memory_space<hbm>>)
      tpu.yield
    }) : () -> ()
    %add3A_19 = arith.constant 160 : i32
    %add3A_20 = arith.addi %mul3A_2, %add3A_19 : i32
    "tpu.region"() ({
      %run_scoped3A = tpu.sem_alloc : memref<!tpu.dma_semaphore, #tpu.memory_space<semaphore_mem>>
      %dma_start3A = arith.constant 0 : i32
      %dma_start3A_25 = tpu.memref_slice %arg9[%add3A_20, %dma_start3A] : memref<10240x128xf32, #tpu.memory_space<vmem_shared>> -> memref<160x128xf32, #tpu.memory_space<vmem_shared>>
      %dma_start3A_26 = arith.constant 0 : i32
      %dma_start3A_27 = tpu.memref_slice %arg9[%add3A_20, %dma_start3A_26] : memref<10240x128xf32, #tpu.memory_space<vmem_shared>> -> memref<160x128xf32, #tpu.memory_space<vmem_shared>>
      tpu.enqueue_dma source(%dma_start3A_27 : memref<160x128xf32, #tpu.memory_space<vmem_shared>>) target(%arg8 : memref<160x128xf32, #tpu.memory_space<vmem>>) target_semaphore(%run_scoped3A : memref<!tpu.dma_semaphore, #tpu.memory_space<semaphore_mem>>)
      %dma_wait3A = arith.constant 0 : i32
      %dma_wait3A_28 = tpu.memref_slice %arg9[%add3A_20, %dma_wait3A] : memref<10240x128xf32, #tpu.memory_space<vmem_shared>> -> memref<160x128xf32, #tpu.memory_space<vmem_shared>>
      %dma_wait3A_29 = arith.constant 0 : i32
      %dma_wait3A_30 = tpu.memref_slice %arg9[%add3A_20, %dma_wait3A_29] : memref<10240x128xf32, #tpu.memory_space<vmem_shared>> -> memref<160x128xf32, #tpu.memory_space<vmem_shared>>
      tpu.wait_dma2 semaphore(%run_scoped3A : memref<!tpu.dma_semaphore, #tpu.memory_space<semaphore_mem>>) src(%dma_wait3A_30 : memref<160x128xf32, #tpu.memory_space<vmem_shared>>) dst(%arg8 : memref<160x128xf32, #tpu.memory_space<vmem>>)
      tpu.yield
    }) : () -> ()
    "tpu.region"() ({
      %run_scoped3A = tpu.sem_alloc : memref<!tpu.dma_semaphore, #tpu.memory_space<semaphore_mem>>
      %dma_start3A = arith.constant 0 : i32
      %dma_start3A_25 = tpu.memref_slice %arg5[%arg0, %add3A_20, %dma_start3A] : memref<2x10240x128xf32, #tpu.memory_space<hbm>> -> memref<1x160x128xf32, #tpu.memory_space<hbm>>
      %dma_start3A_26 = tpu.memref_squeeze %dma_start3A_25 : memref<1x160x128xf32, #tpu.memory_space<hbm>> -> memref<160x128xf32, #tpu.memory_space<hbm>>
      %dma_start3A_27 = arith.constant 0 : i32
      %dma_start3A_28 = tpu.memref_slice %arg5[%arg0, %add3A_20, %dma_start3A_27] : memref<2x10240x128xf32, #tpu.memory_space<hbm>> -> memref<1x160x128xf32, #tpu.memory_space<hbm>>
      %dma_start3A_29 = tpu.memref_squeeze %dma_start3A_28 : memref<1x160x128xf32, #tpu.memory_space<hbm>> -> memref<160x128xf32, #tpu.memory_space<hbm>>
      tpu.enqueue_dma source(%arg8 : memref<160x128xf32, #tpu.memory_space<vmem>>) target(%dma_start3A_29 : memref<160x128xf32, #tpu.memory_space<hbm>>) target_semaphore(%run_scoped3A : memref<!tpu.dma_semaphore, #tpu.memory_space<semaphore_mem>>)
      %dma_wait3A = arith.constant 0 : i32
      %dma_wait3A_30 = tpu.memref_slice %arg5[%arg0, %add3A_20, %dma_wait3A] : memref<2x10240x128xf32, #tpu.memory_space<hbm>> -> memref<1x160x128xf32, #tpu.memory_space<hbm>>
      %dma_wait3A_31 = tpu.memref_squeeze %dma_wait3A_30 : memref<1x160x128xf32, #tpu.memory_space<hbm>> -> memref<160x128xf32, #tpu.memory_space<hbm>>
      %dma_wait3A_32 = arith.constant 0 : i32
      %dma_wait3A_33 = tpu.memref_slice %arg5[%arg0, %add3A_20, %dma_wait3A_32] : memref<2x10240x128xf32, #tpu.memory_space<hbm>> -> memref<1x160x128xf32, #tpu.memory_space<hbm>>
      %dma_wait3A_34 = tpu.memref_squeeze %dma_wait3A_33 : memref<1x160x128xf32, #tpu.memory_space<hbm>> -> memref<160x128xf32, #tpu.memory_space<hbm>>
      tpu.wait_dma2 semaphore(%run_scoped3A : memref<!tpu.dma_semaphore, #tpu.memory_space<semaphore_mem>>) src(%arg8 : memref<160x128xf32, #tpu.memory_space<vmem>>) dst(%dma_wait3A_34 : memref<160x128xf32, #tpu.memory_space<hbm>>)
      tpu.yield
    }) : () -> ()
    %add3A_21 = arith.constant 320 : i32
    %add3A_22 = arith.addi %mul3A_2, %add3A_21 : i32
    "tpu.region"() ({
      %run_scoped3A = tpu.sem_alloc : memref<!tpu.dma_semaphore, #tpu.memory_space<semaphore_mem>>
      %dma_start3A = arith.constant 0 : i32
      %dma_start3A_25 = tpu.memref_slice %arg9[%add3A_22, %dma_start3A] : memref<10240x128xf32, #tpu.memory_space<vmem_shared>> -> memref<160x128xf32, #tpu.memory_space<vmem_shared>>
      %dma_start3A_26 = arith.constant 0 : i32
      %dma_start3A_27 = tpu.memref_slice %arg9[%add3A_22, %dma_start3A_26] : memref<10240x128xf32, #tpu.memory_space<vmem_shared>> -> memref<160x128xf32, #tpu.memory_space<vmem_shared>>
      tpu.enqueue_dma source(%dma_start3A_27 : memref<160x128xf32, #tpu.memory_space<vmem_shared>>) target(%arg8 : memref<160x128xf32, #tpu.memory_space<vmem>>) target_semaphore(%run_scoped3A : memref<!tpu.dma_semaphore, #tpu.memory_space<semaphore_mem>>)
      %dma_wait3A = arith.constant 0 : i32
      %dma_wait3A_28 = tpu.memref_slice %arg9[%add3A_22, %dma_wait3A] : memref<10240x128xf32, #tpu.memory_space<vmem_shared>> -> memref<160x128xf32, #tpu.memory_space<vmem_shared>>
      %dma_wait3A_29 = arith.constant 0 : i32
      %dma_wait3A_30 = tpu.memref_slice %arg9[%add3A_22, %dma_wait3A_29] : memref<10240x128xf32, #tpu.memory_space<vmem_shared>> -> memref<160x128xf32, #tpu.memory_space<vmem_shared>>
      tpu.wait_dma2 semaphore(%run_scoped3A : memref<!tpu.dma_semaphore, #tpu.memory_space<semaphore_mem>>) src(%dma_wait3A_30 : memref<160x128xf32, #tpu.memory_space<vmem_shared>>) dst(%arg8 : memref<160x128xf32, #tpu.memory_space<vmem>>)
      tpu.yield
    }) : () -> ()
    "tpu.region"() ({
      %run_scoped3A = tpu.sem_alloc : memref<!tpu.dma_semaphore, #tpu.memory_space<semaphore_mem>>
      %dma_start3A = arith.constant 0 : i32
      %dma_start3A_25 = tpu.memref_slice %arg5[%arg0, %add3A_22, %dma_start3A] : memref<2x10240x128xf32, #tpu.memory_space<hbm>> -> memref<1x160x128xf32, #tpu.memory_space<hbm>>
      %dma_start3A_26 = tpu.memref_squeeze %dma_start3A_25 : memref<1x160x128xf32, #tpu.memory_space<hbm>> -> memref<160x128xf32, #tpu.memory_space<hbm>>
      %dma_start3A_27 = arith.constant 0 : i32
      %dma_start3A_28 = tpu.memref_slice %arg5[%arg0, %add3A_22, %dma_start3A_27] : memref<2x10240x128xf32, #tpu.memory_space<hbm>> -> memref<1x160x128xf32, #tpu.memory_space<hbm>>
      %dma_start3A_29 = tpu.memref_squeeze %dma_start3A_28 : memref<1x160x128xf32, #tpu.memory_space<hbm>> -> memref<160x128xf32, #tpu.memory_space<hbm>>
      tpu.enqueue_dma source(%arg8 : memref<160x128xf32, #tpu.memory_space<vmem>>) target(%dma_start3A_29 : memref<160x128xf32, #tpu.memory_space<hbm>>) target_semaphore(%run_scoped3A : memref<!tpu.dma_semaphore, #tpu.memory_space<semaphore_mem>>)
      %dma_wait3A = arith.constant 0 : i32
      %dma_wait3A_30 = tpu.memref_slice %arg5[%arg0, %add3A_22, %dma_wait3A] : memref<2x10240x128xf32, #tpu.memory_space<hbm>> -> memref<1x160x128xf32, #tpu.memory_space<hbm>>
      %dma_wait3A_31 = tpu.memref_squeeze %dma_wait3A_30 : memref<1x160x128xf32, #tpu.memory_space<hbm>> -> memref<160x128xf32, #tpu.memory_space<hbm>>
      %dma_wait3A_32 = arith.constant 0 : i32
      %dma_wait3A_33 = tpu.memref_slice %arg5[%arg0, %add3A_22, %dma_wait3A_32] : memref<2x10240x128xf32, #tpu.memory_space<hbm>> -> memref<1x160x128xf32, #tpu.memory_space<hbm>>
      %dma_wait3A_34 = tpu.memref_squeeze %dma_wait3A_33 : memref<1x160x128xf32, #tpu.memory_space<hbm>> -> memref<160x128xf32, #tpu.memory_space<hbm>>
      tpu.wait_dma2 semaphore(%run_scoped3A : memref<!tpu.dma_semaphore, #tpu.memory_space<semaphore_mem>>) src(%arg8 : memref<160x128xf32, #tpu.memory_space<vmem>>) dst(%dma_wait3A_34 : memref<160x128xf32, #tpu.memory_space<hbm>>)
      tpu.yield
    }) : () -> ()
    %add3A_23 = arith.constant 480 : i32
    %add3A_24 = arith.addi %mul3A_2, %add3A_23 : i32
    "tpu.region"() ({
      %run_scoped3A = tpu.sem_alloc : memref<!tpu.dma_semaphore, #tpu.memory_space<semaphore_mem>>
      %dma_start3A = arith.constant 0 : i32
      %dma_start3A_25 = tpu.memref_slice %arg9[%add3A_24, %dma_start3A] : memref<10240x128xf32, #tpu.memory_space<vmem_shared>> -> memref<160x128xf32, #tpu.memory_space<vmem_shared>>
      %dma_start3A_26 = arith.constant 0 : i32
      %dma_start3A_27 = tpu.memref_slice %arg9[%add3A_24, %dma_start3A_26] : memref<10240x128xf32, #tpu.memory_space<vmem_shared>> -> memref<160x128xf32, #tpu.memory_space<vmem_shared>>
      tpu.enqueue_dma source(%dma_start3A_27 : memref<160x128xf32, #tpu.memory_space<vmem_shared>>) target(%arg8 : memref<160x128xf32, #tpu.memory_space<vmem>>) target_semaphore(%run_scoped3A : memref<!tpu.dma_semaphore, #tpu.memory_space<semaphore_mem>>)
      %dma_wait3A = arith.constant 0 : i32
      %dma_wait3A_28 = tpu.memref_slice %arg9[%add3A_24, %dma_wait3A] : memref<10240x128xf32, #tpu.memory_space<vmem_shared>> -> memref<160x128xf32, #tpu.memory_space<vmem_shared>>
      %dma_wait3A_29 = arith.constant 0 : i32
      %dma_wait3A_30 = tpu.memref_slice %arg9[%add3A_24, %dma_wait3A_29] : memref<10240x128xf32, #tpu.memory_space<vmem_shared>> -> memref<160x128xf32, #tpu.memory_space<vmem_shared>>
      tpu.wait_dma2 semaphore(%run_scoped3A : memref<!tpu.dma_semaphore, #tpu.memory_space<semaphore_mem>>) src(%dma_wait3A_30 : memref<160x128xf32, #tpu.memory_space<vmem_shared>>) dst(%arg8 : memref<160x128xf32, #tpu.memory_space<vmem>>)
      tpu.yield
    }) : () -> ()
    "tpu.region"() ({
      %run_scoped3A = tpu.sem_alloc : memref<!tpu.dma_semaphore, #tpu.memory_space<semaphore_mem>>
      %dma_start3A = arith.constant 0 : i32
      %dma_start3A_25 = tpu.memref_slice %arg5[%arg0, %add3A_24, %dma_start3A] : memref<2x10240x128xf32, #tpu.memory_space<hbm>> -> memref<1x160x128xf32, #tpu.memory_space<hbm>>
      %dma_start3A_26 = tpu.memref_squeeze %dma_start3A_25 : memref<1x160x128xf32, #tpu.memory_space<hbm>> -> memref<160x128xf32, #tpu.memory_space<hbm>>
      %dma_start3A_27 = arith.constant 0 : i32
      %dma_start3A_28 = tpu.memref_slice %arg5[%arg0, %add3A_24, %dma_start3A_27] : memref<2x10240x128xf32, #tpu.memory_space<hbm>> -> memref<1x160x128xf32, #tpu.memory_space<hbm>>
      %dma_start3A_29 = tpu.memref_squeeze %dma_start3A_28 : memref<1x160x128xf32, #tpu.memory_space<hbm>> -> memref<160x128xf32, #tpu.memory_space<hbm>>
      tpu.enqueue_dma source(%arg8 : memref<160x128xf32, #tpu.memory_space<vmem>>) target(%dma_start3A_29 : memref<160x128xf32, #tpu.memory_space<hbm>>) target_semaphore(%run_scoped3A : memref<!tpu.dma_semaphore, #tpu.memory_space<semaphore_mem>>)
      %dma_wait3A = arith.constant 0 : i32
      %dma_wait3A_30 = tpu.memref_slice %arg5[%arg0, %add3A_24, %dma_wait3A] : memref<2x10240x128xf32, #tpu.memory_space<hbm>> -> memref<1x160x128xf32, #tpu.memory_space<hbm>>
      %dma_wait3A_31 = tpu.memref_squeeze %dma_wait3A_30 : memref<1x160x128xf32, #tpu.memory_space<hbm>> -> memref<160x128xf32, #tpu.memory_space<hbm>>
      %dma_wait3A_32 = arith.constant 0 : i32
      %dma_wait3A_33 = tpu.memref_slice %arg5[%arg0, %add3A_24, %dma_wait3A_32] : memref<2x10240x128xf32, #tpu.memory_space<hbm>> -> memref<1x160x128xf32, #tpu.memory_space<hbm>>
      %dma_wait3A_34 = tpu.memref_squeeze %dma_wait3A_33 : memref<1x160x128xf32, #tpu.memory_space<hbm>> -> memref<160x128xf32, #tpu.memory_space<hbm>>
      tpu.wait_dma2 semaphore(%run_scoped3A : memref<!tpu.dma_semaphore, #tpu.memory_space<semaphore_mem>>) src(%arg8 : memref<160x128xf32, #tpu.memory_space<vmem>>) dst(%dma_wait3A_34 : memref<160x128xf32, #tpu.memory_space<hbm>>)
      tpu.yield
    }) : () -> ()
    return
  }
}

#map = affine_map<(d0, d1) -> (0, 0)>
#map1 = affine_map<(d0, d1) -> (0)>
#map2 = affine_map<(d0, d1) -> (0, 0, 0)>
module attributes {stable_mosaic.version = 14 : i64} {
  func.func @_scatter_body(%arg0: i32, %arg1: i32, %arg2: memref<320000x128xf32, #tpu.memory_space<hbm>>, %arg3: memref<320000xi32, #tpu.memory_space<hbm>>, %arg4: memref<160x128xf32, #tpu.memory_space<hbm>>, %arg5: memref<2x10240x128xf32, #tpu.memory_space<hbm>>, %arg6: memref<80xi32, #tpu.memory_space<vmem>>, %arg7: memref<80x128xf32, #tpu.memory_space<vmem>>, %arg8: memref<160x128xf32, #tpu.memory_space<vmem>>, %arg9: memref<10240x128xf32, #tpu.memory_space<vmem_shared>>, %arg10: memref<!tpu.dma_semaphore, #tpu.memory_space<semaphore_mem>>) attributes {dimension_semantics = [#tpu.dimension_semantics<core_parallel>, #tpu.dimension_semantics<subcore_parallel>], iteration_bounds = array<i64: 2, 16>, scalar_prefetch = 0 : i64, scratch_operands = 5 : i64, tpu.core_type = #tpu.core_type<sc_vector_subcore>, window_params = [{transform_indices = #map}, {transform_indices = #map1}, {transform_indices = #map}, {transform_indices = #map2}]} {
    %mul3A = arith.constant 2 : i32
    %mul3A_0 = arith.muli %arg1, %mul3A : i32
    %add3A = arith.addi %mul3A_0, %arg0 : i32
    %mul3A_1 = arith.constant 640 : i32
    %mul3A_2 = arith.muli %arg1, %mul3A_1 : i32
    "tpu.region"() ({
      %run_scoped3A = tpu.sem_alloc : memref<!tpu.dma_semaphore, #tpu.memory_space<semaphore_mem>>
      tpu.enqueue_dma source(%arg4 : memref<160x128xf32, #tpu.memory_space<hbm>>) target(%arg8 : memref<160x128xf32, #tpu.memory_space<vmem>>) target_semaphore(%run_scoped3A : memref<!tpu.dma_semaphore, #tpu.memory_space<semaphore_mem>>)
      tpu.wait_dma2 semaphore(%run_scoped3A : memref<!tpu.dma_semaphore, #tpu.memory_space<semaphore_mem>>) src(%arg4 : memref<160x128xf32, #tpu.memory_space<hbm>>) dst(%arg8 : memref<160x128xf32, #tpu.memory_space<vmem>>)
      tpu.yield
    }) : () -> ()
    %add3A_3 = arith.constant 0 : i32
    %add3A_4 = arith.addi %mul3A_2, %add3A_3 : i32
    "tpu.region"() ({
      %run_scoped3A = tpu.sem_alloc : memref<!tpu.dma_semaphore, #tpu.memory_space<semaphore_mem>>
      %dma_start3A = arith.constant 0 : i32
      %dma_start3A_25 = tpu.memref_slice %arg9[%add3A_4, %dma_start3A] : memref<10240x128xf32, #tpu.memory_space<vmem_shared>> -> memref<160x128xf32, #tpu.memory_space<vmem_shared>>
      %dma_start3A_26 = arith.constant 0 : i32
      %dma_start3A_27 = tpu.memref_slice %arg9[%add3A_4, %dma_start3A_26] : memref<10240x128xf32, #tpu.memory_space<vmem_shared>> -> memref<160x128xf32, #tpu.memory_space<vmem_shared>>
      tpu.enqueue_dma source(%arg8 : memref<160x128xf32, #tpu.memory_space<vmem>>) target(%dma_start3A_27 : memref<160x128xf32, #tpu.memory_space<vmem_shared>>) target_semaphore(%run_scoped3A : memref<!tpu.dma_semaphore, #tpu.memory_space<semaphore_mem>>)
      %dma_wait3A = arith.constant 0 : i32
      %dma_wait3A_28 = tpu.memref_slice %arg9[%add3A_4, %dma_wait3A] : memref<10240x128xf32, #tpu.memory_space<vmem_shared>> -> memref<160x128xf32, #tpu.memory_space<vmem_shared>>
      %dma_wait3A_29 = arith.constant 0 : i32
      %dma_wait3A_30 = tpu.memref_slice %arg9[%add3A_4, %dma_wait3A_29] : memref<10240x128xf32, #tpu.memory_space<vmem_shared>> -> memref<160x128xf32, #tpu.memory_space<vmem_shared>>
      tpu.wait_dma2 semaphore(%run_scoped3A : memref<!tpu.dma_semaphore, #tpu.memory_space<semaphore_mem>>) src(%arg8 : memref<160x128xf32, #tpu.memory_space<vmem>>) dst(%dma_wait3A_30 : memref<160x128xf32, #tpu.memory_space<vmem_shared>>)
      tpu.yield
    }) : () -> ()
    %add3A_5 = arith.constant 160 : i32
    %add3A_6 = arith.addi %mul3A_2, %add3A_5 : i32
    "tpu.region"() ({
      %run_scoped3A = tpu.sem_alloc : memref<!tpu.dma_semaphore, #tpu.memory_space<semaphore_mem>>
      %dma_start3A = arith.constant 0 : i32
      %dma_start3A_25 = tpu.memref_slice %arg9[%add3A_6, %dma_start3A] : memref<10240x128xf32, #tpu.memory_space<vmem_shared>> -> memref<160x128xf32, #tpu.memory_space<vmem_shared>>
      %dma_start3A_26 = arith.constant 0 : i32
      %dma_start3A_27 = tpu.memref_slice %arg9[%add3A_6, %dma_start3A_26] : memref<10240x128xf32, #tpu.memory_space<vmem_shared>> -> memref<160x128xf32, #tpu.memory_space<vmem_shared>>
      tpu.enqueue_dma source(%arg8 : memref<160x128xf32, #tpu.memory_space<vmem>>) target(%dma_start3A_27 : memref<160x128xf32, #tpu.memory_space<vmem_shared>>) target_semaphore(%run_scoped3A : memref<!tpu.dma_semaphore, #tpu.memory_space<semaphore_mem>>)
      %dma_wait3A = arith.constant 0 : i32
      %dma_wait3A_28 = tpu.memref_slice %arg9[%add3A_6, %dma_wait3A] : memref<10240x128xf32, #tpu.memory_space<vmem_shared>> -> memref<160x128xf32, #tpu.memory_space<vmem_shared>>
      %dma_wait3A_29 = arith.constant 0 : i32
      %dma_wait3A_30 = tpu.memref_slice %arg9[%add3A_6, %dma_wait3A_29] : memref<10240x128xf32, #tpu.memory_space<vmem_shared>> -> memref<160x128xf32, #tpu.memory_space<vmem_shared>>
      tpu.wait_dma2 semaphore(%run_scoped3A : memref<!tpu.dma_semaphore, #tpu.memory_space<semaphore_mem>>) src(%arg8 : memref<160x128xf32, #tpu.memory_space<vmem>>) dst(%dma_wait3A_30 : memref<160x128xf32, #tpu.memory_space<vmem_shared>>)
      tpu.yield
    }) : () -> ()
    %add3A_7 = arith.constant 320 : i32
    %add3A_8 = arith.addi %mul3A_2, %add3A_7 : i32
    "tpu.region"() ({
      %run_scoped3A = tpu.sem_alloc : memref<!tpu.dma_semaphore, #tpu.memory_space<semaphore_mem>>
      %dma_start3A = arith.constant 0 : i32
      %dma_start3A_25 = tpu.memref_slice %arg9[%add3A_8, %dma_start3A] : memref<10240x128xf32, #tpu.memory_space<vmem_shared>> -> memref<160x128xf32, #tpu.memory_space<vmem_shared>>
      %dma_start3A_26 = arith.constant 0 : i32
      %dma_start3A_27 = tpu.memref_slice %arg9[%add3A_8, %dma_start3A_26] : memref<10240x128xf32, #tpu.memory_space<vmem_shared>> -> memref<160x128xf32, #tpu.memory_space<vmem_shared>>
      tpu.enqueue_dma source(%arg8 : memref<160x128xf32, #tpu.memory_space<vmem>>) target(%dma_start3A_27 : memref<160x128xf32, #tpu.memory_space<vmem_shared>>) target_semaphore(%run_scoped3A : memref<!tpu.dma_semaphore, #tpu.memory_space<semaphore_mem>>)
      %dma_wait3A = arith.constant 0 : i32
      %dma_wait3A_28 = tpu.memref_slice %arg9[%add3A_8, %dma_wait3A] : memref<10240x128xf32, #tpu.memory_space<vmem_shared>> -> memref<160x128xf32, #tpu.memory_space<vmem_shared>>
      %dma_wait3A_29 = arith.constant 0 : i32
      %dma_wait3A_30 = tpu.memref_slice %arg9[%add3A_8, %dma_wait3A_29] : memref<10240x128xf32, #tpu.memory_space<vmem_shared>> -> memref<160x128xf32, #tpu.memory_space<vmem_shared>>
      tpu.wait_dma2 semaphore(%run_scoped3A : memref<!tpu.dma_semaphore, #tpu.memory_space<semaphore_mem>>) src(%arg8 : memref<160x128xf32, #tpu.memory_space<vmem>>) dst(%dma_wait3A_30 : memref<160x128xf32, #tpu.memory_space<vmem_shared>>)
      tpu.yield
    }) : () -> ()
    %add3A_9 = arith.constant 480 : i32
    %add3A_10 = arith.addi %mul3A_2, %add3A_9 : i32
    "tpu.region"() ({
      %run_scoped3A = tpu.sem_alloc : memref<!tpu.dma_semaphore, #tpu.memory_space<semaphore_mem>>
      %dma_start3A = arith.constant 0 : i32
      %dma_start3A_25 = tpu.memref_slice %arg9[%add3A_10, %dma_start3A] : memref<10240x128xf32, #tpu.memory_space<vmem_shared>> -> memref<160x128xf32, #tpu.memory_space<vmem_shared>>
      %dma_start3A_26 = arith.constant 0 : i32
      %dma_start3A_27 = tpu.memref_slice %arg9[%add3A_10, %dma_start3A_26] : memref<10240x128xf32, #tpu.memory_space<vmem_shared>> -> memref<160x128xf32, #tpu.memory_space<vmem_shared>>
      tpu.enqueue_dma source(%arg8 : memref<160x128xf32, #tpu.memory_space<vmem>>) target(%dma_start3A_27 : memref<160x128xf32, #tpu.memory_space<vmem_shared>>) target_semaphore(%run_scoped3A : memref<!tpu.dma_semaphore, #tpu.memory_space<semaphore_mem>>)
      %dma_wait3A = arith.constant 0 : i32
      %dma_wait3A_28 = tpu.memref_slice %arg9[%add3A_10, %dma_wait3A] : memref<10240x128xf32, #tpu.memory_space<vmem_shared>> -> memref<160x128xf32, #tpu.memory_space<vmem_shared>>
      %dma_wait3A_29 = arith.constant 0 : i32
      %dma_wait3A_30 = tpu.memref_slice %arg9[%add3A_10, %dma_wait3A_29] : memref<10240x128xf32, #tpu.memory_space<vmem_shared>> -> memref<160x128xf32, #tpu.memory_space<vmem_shared>>
      tpu.wait_dma2 semaphore(%run_scoped3A : memref<!tpu.dma_semaphore, #tpu.memory_space<semaphore_mem>>) src(%arg8 : memref<160x128xf32, #tpu.memory_space<vmem>>) dst(%dma_wait3A_30 : memref<160x128xf32, #tpu.memory_space<vmem_shared>>)
      tpu.yield
    }) : () -> ()
    %barrier3A = arith.constant 0 : index
    tpu.barrier barrier_id(%barrier3A)
    %scan3A = arith.constant 0 : i32
    %scan3A_11 = arith.constant 0 : i32
    %scan3A_12 = arith.constant 125 : i32
    %scan3A_13 = arith.addi %scan3A_11, %scan3A_12 : i32
    %scan3A_14 = arith.constant 1 : i32
    scf.for %scan3A_25 = %scan3A_11 to %scan3A_13 step %scan3A_14  : i32 {
      %mul3A_26 = arith.constant 10000 : i32
      %mul3A_27 = arith.muli %add3A, %mul3A_26 : i32
      %mul3A_28 = arith.constant 80 : i32
      %mul3A_29 = arith.muli %scan3A_25, %mul3A_28 : i32
      %add3A_30 = arith.addi %mul3A_27, %mul3A_29 : i32
      "tpu.region"() ({
        %run_scoped3A = tpu.sem_alloc : memref<!tpu.dma_semaphore, #tpu.memory_space<semaphore_mem>>
        %dma_start3A = tpu.memref_slice %arg3[%add3A_30] : memref<320000xi32, #tpu.memory_space<hbm>> -> memref<80xi32, #tpu.memory_space<hbm>>
        %dma_start3A_31 = tpu.memref_slice %arg3[%add3A_30] : memref<320000xi32, #tpu.memory_space<hbm>> -> memref<80xi32, #tpu.memory_space<hbm>>
        tpu.enqueue_dma source(%dma_start3A_31 : memref<80xi32, #tpu.memory_space<hbm>>) target(%arg6 : memref<80xi32, #tpu.memory_space<vmem>>) target_semaphore(%run_scoped3A : memref<!tpu.dma_semaphore, #tpu.memory_space<semaphore_mem>>)
        %dma_wait3A = tpu.memref_slice %arg3[%add3A_30] : memref<320000xi32, #tpu.memory_space<hbm>> -> memref<80xi32, #tpu.memory_space<hbm>>
        %dma_wait3A_32 = tpu.memref_slice %arg3[%add3A_30] : memref<320000xi32, #tpu.memory_space<hbm>> -> memref<80xi32, #tpu.memory_space<hbm>>
        tpu.wait_dma2 semaphore(%run_scoped3A : memref<!tpu.dma_semaphore, #tpu.memory_space<semaphore_mem>>) src(%dma_wait3A_32 : memref<80xi32, #tpu.memory_space<hbm>>) dst(%arg6 : memref<80xi32, #tpu.memory_space<vmem>>)
        tpu.yield
      }) : () -> ()
      "tpu.region"() ({
        %run_scoped3A = tpu.sem_alloc : memref<!tpu.dma_semaphore, #tpu.memory_space<semaphore_mem>>
        %dma_start3A = arith.constant 0 : i32
        %dma_start3A_31 = tpu.memref_slice %arg2[%add3A_30, %dma_start3A] : memref<320000x128xf32, #tpu.memory_space<hbm>> -> memref<80x128xf32, #tpu.memory_space<hbm>>
        %dma_start3A_32 = arith.constant 0 : i32
        %dma_start3A_33 = tpu.memref_slice %arg2[%add3A_30, %dma_start3A_32] : memref<320000x128xf32, #tpu.memory_space<hbm>> -> memref<80x128xf32, #tpu.memory_space<hbm>>
        tpu.enqueue_dma source(%dma_start3A_33 : memref<80x128xf32, #tpu.memory_space<hbm>>) target(%arg7 : memref<80x128xf32, #tpu.memory_space<vmem>>) target_semaphore(%run_scoped3A : memref<!tpu.dma_semaphore, #tpu.memory_space<semaphore_mem>>)
        %dma_wait3A = arith.constant 0 : i32
        %dma_wait3A_34 = tpu.memref_slice %arg2[%add3A_30, %dma_wait3A] : memref<320000x128xf32, #tpu.memory_space<hbm>> -> memref<80x128xf32, #tpu.memory_space<hbm>>
        %dma_wait3A_35 = arith.constant 0 : i32
        %dma_wait3A_36 = tpu.memref_slice %arg2[%add3A_30, %dma_wait3A_35] : memref<320000x128xf32, #tpu.memory_space<hbm>> -> memref<80x128xf32, #tpu.memory_space<hbm>>
        tpu.wait_dma2 semaphore(%run_scoped3A : memref<!tpu.dma_semaphore, #tpu.memory_space<semaphore_mem>>) src(%dma_wait3A_36 : memref<80x128xf32, #tpu.memory_space<hbm>>) dst(%arg7 : memref<80x128xf32, #tpu.memory_space<vmem>>)
        tpu.yield
      }) : () -> ()
      "tpu.region"() ({
        %run_scoped3A = tpu.sem_alloc : memref<!tpu.dma_semaphore, #tpu.memory_space<semaphore_mem>>
        %dma_start3A = arith.constant 0 : i32
        %dma_start3A_31 = arith.constant 0 : i32
        %dma_start3A_32 = tpu.memref_slice %arg9[%dma_start3A, %dma_start3A_31] : memref<10240x128xf32, #tpu.memory_space<vmem_shared>> -> memref<10240x128xf32, #tpu.memory_space<vmem_shared>>
        tpu.enqueue_indirect_dma source(%arg7 : memref<80x128xf32, #tpu.memory_space<vmem>>) target(%dma_start3A_32 : memref<10240x128xf32, #tpu.memory_space<vmem_shared>>) offsets(%arg6 : memref<80xi32, #tpu.memory_space<vmem>>) semaphore(%run_scoped3A : memref<!tpu.dma_semaphore, #tpu.memory_space<semaphore_mem>>) {add = true}
        %dma_wait3A = arith.constant 0 : i32
        %dma_wait3A_33 = arith.constant 0 : i32
        %dma_wait3A_34 = tpu.memref_slice %arg9[%dma_wait3A, %dma_wait3A_33] : memref<10240x128xf32, #tpu.memory_space<vmem_shared>> -> memref<10240x128xf32, #tpu.memory_space<vmem_shared>>
        tpu.wait_indirect_dma semaphore(%run_scoped3A : memref<!tpu.dma_semaphore, #tpu.memory_space<semaphore_mem>>) src(%arg7 : memref<80x128xf32, #tpu.memory_space<vmem>>) dst(%dma_wait3A_34 : memref<10240x128xf32, #tpu.memory_space<vmem_shared>>)
        tpu.yield
      }) : () -> ()
    }
    %scan3A_15 = arith.constant 125 : i32
    %barrier3A_16 = arith.constant 0 : index
    tpu.barrier barrier_id(%barrier3A_16)
    %add3A_17 = arith.constant 0 : i32
    %add3A_18 = arith.addi %mul3A_2, %add3A_17 : i32
    "tpu.region"() ({
      %run_scoped3A = tpu.sem_alloc : memref<!tpu.dma_semaphore, #tpu.memory_space<semaphore_mem>>
      %dma_start3A = arith.constant 0 : i32
      %dma_start3A_25 = tpu.memref_slice %arg9[%add3A_18, %dma_start3A] : memref<10240x128xf32, #tpu.memory_space<vmem_shared>> -> memref<160x128xf32, #tpu.memory_space<vmem_shared>>
      %dma_start3A_26 = arith.constant 0 : i32
      %dma_start3A_27 = tpu.memref_slice %arg9[%add3A_18, %dma_start3A_26] : memref<10240x128xf32, #tpu.memory_space<vmem_shared>> -> memref<160x128xf32, #tpu.memory_space<vmem_shared>>
      tpu.enqueue_dma source(%dma_start3A_27 : memref<160x128xf32, #tpu.memory_space<vmem_shared>>) target(%arg8 : memref<160x128xf32, #tpu.memory_space<vmem>>) target_semaphore(%run_scoped3A : memref<!tpu.dma_semaphore, #tpu.memory_space<semaphore_mem>>)
      %dma_wait3A = arith.constant 0 : i32
      %dma_wait3A_28 = tpu.memref_slice %arg9[%add3A_18, %dma_wait3A] : memref<10240x128xf32, #tpu.memory_space<vmem_shared>> -> memref<160x128xf32, #tpu.memory_space<vmem_shared>>
      %dma_wait3A_29 = arith.constant 0 : i32
      %dma_wait3A_30 = tpu.memref_slice %arg9[%add3A_18, %dma_wait3A_29] : memref<10240x128xf32, #tpu.memory_space<vmem_shared>> -> memref<160x128xf32, #tpu.memory_space<vmem_shared>>
      tpu.wait_dma2 semaphore(%run_scoped3A : memref<!tpu.dma_semaphore, #tpu.memory_space<semaphore_mem>>) src(%dma_wait3A_30 : memref<160x128xf32, #tpu.memory_space<vmem_shared>>) dst(%arg8 : memref<160x128xf32, #tpu.memory_space<vmem>>)
      tpu.yield
    }) : () -> ()
    "tpu.region"() ({
      %run_scoped3A = tpu.sem_alloc : memref<!tpu.dma_semaphore, #tpu.memory_space<semaphore_mem>>
      %dma_start3A = arith.constant 0 : i32
      %dma_start3A_25 = tpu.memref_slice %arg5[%arg0, %add3A_18, %dma_start3A] : memref<2x10240x128xf32, #tpu.memory_space<hbm>> -> memref<1x160x128xf32, #tpu.memory_space<hbm>>
      %dma_start3A_26 = tpu.memref_squeeze %dma_start3A_25 : memref<1x160x128xf32, #tpu.memory_space<hbm>> -> memref<160x128xf32, #tpu.memory_space<hbm>>
      %dma_start3A_27 = arith.constant 0 : i32
      %dma_start3A_28 = tpu.memref_slice %arg5[%arg0, %add3A_18, %dma_start3A_27] : memref<2x10240x128xf32, #tpu.memory_space<hbm>> -> memref<1x160x128xf32, #tpu.memory_space<hbm>>
      %dma_start3A_29 = tpu.memref_squeeze %dma_start3A_28 : memref<1x160x128xf32, #tpu.memory_space<hbm>> -> memref<160x128xf32, #tpu.memory_space<hbm>>
      tpu.enqueue_dma source(%arg8 : memref<160x128xf32, #tpu.memory_space<vmem>>) target(%dma_start3A_29 : memref<160x128xf32, #tpu.memory_space<hbm>>) target_semaphore(%run_scoped3A : memref<!tpu.dma_semaphore, #tpu.memory_space<semaphore_mem>>)
      %dma_wait3A = arith.constant 0 : i32
      %dma_wait3A_30 = tpu.memref_slice %arg5[%arg0, %add3A_18, %dma_wait3A] : memref<2x10240x128xf32, #tpu.memory_space<hbm>> -> memref<1x160x128xf32, #tpu.memory_space<hbm>>
      %dma_wait3A_31 = tpu.memref_squeeze %dma_wait3A_30 : memref<1x160x128xf32, #tpu.memory_space<hbm>> -> memref<160x128xf32, #tpu.memory_space<hbm>>
      %dma_wait3A_32 = arith.constant 0 : i32
      %dma_wait3A_33 = tpu.memref_slice %arg5[%arg0, %add3A_18, %dma_wait3A_32] : memref<2x10240x128xf32, #tpu.memory_space<hbm>> -> memref<1x160x128xf32, #tpu.memory_space<hbm>>
      %dma_wait3A_34 = tpu.memref_squeeze %dma_wait3A_33 : memref<1x160x128xf32, #tpu.memory_space<hbm>> -> memref<160x128xf32, #tpu.memory_space<hbm>>
      tpu.wait_dma2 semaphore(%run_scoped3A : memref<!tpu.dma_semaphore, #tpu.memory_space<semaphore_mem>>) src(%arg8 : memref<160x128xf32, #tpu.memory_space<vmem>>) dst(%dma_wait3A_34 : memref<160x128xf32, #tpu.memory_space<hbm>>)
      tpu.yield
    }) : () -> ()
    %add3A_19 = arith.constant 160 : i32
    %add3A_20 = arith.addi %mul3A_2, %add3A_19 : i32
    "tpu.region"() ({
      %run_scoped3A = tpu.sem_alloc : memref<!tpu.dma_semaphore, #tpu.memory_space<semaphore_mem>>
      %dma_start3A = arith.constant 0 : i32
      %dma_start3A_25 = tpu.memref_slice %arg9[%add3A_20, %dma_start3A] : memref<10240x128xf32, #tpu.memory_space<vmem_shared>> -> memref<160x128xf32, #tpu.memory_space<vmem_shared>>
      %dma_start3A_26 = arith.constant 0 : i32
      %dma_start3A_27 = tpu.memref_slice %arg9[%add3A_20, %dma_start3A_26] : memref<10240x128xf32, #tpu.memory_space<vmem_shared>> -> memref<160x128xf32, #tpu.memory_space<vmem_shared>>
      tpu.enqueue_dma source(%dma_start3A_27 : memref<160x128xf32, #tpu.memory_space<vmem_shared>>) target(%arg8 : memref<160x128xf32, #tpu.memory_space<vmem>>) target_semaphore(%run_scoped3A : memref<!tpu.dma_semaphore, #tpu.memory_space<semaphore_mem>>)
      %dma_wait3A = arith.constant 0 : i32
      %dma_wait3A_28 = tpu.memref_slice %arg9[%add3A_20, %dma_wait3A] : memref<10240x128xf32, #tpu.memory_space<vmem_shared>> -> memref<160x128xf32, #tpu.memory_space<vmem_shared>>
      %dma_wait3A_29 = arith.constant 0 : i32
      %dma_wait3A_30 = tpu.memref_slice %arg9[%add3A_20, %dma_wait3A_29] : memref<10240x128xf32, #tpu.memory_space<vmem_shared>> -> memref<160x128xf32, #tpu.memory_space<vmem_shared>>
      tpu.wait_dma2 semaphore(%run_scoped3A : memref<!tpu.dma_semaphore, #tpu.memory_space<semaphore_mem>>) src(%dma_wait3A_30 : memref<160x128xf32, #tpu.memory_space<vmem_shared>>) dst(%arg8 : memref<160x128xf32, #tpu.memory_space<vmem>>)
      tpu.yield
    }) : () -> ()
    "tpu.region"() ({
      %run_scoped3A = tpu.sem_alloc : memref<!tpu.dma_semaphore, #tpu.memory_space<semaphore_mem>>
      %dma_start3A = arith.constant 0 : i32
      %dma_start3A_25 = tpu.memref_slice %arg5[%arg0, %add3A_20, %dma_start3A] : memref<2x10240x128xf32, #tpu.memory_space<hbm>> -> memref<1x160x128xf32, #tpu.memory_space<hbm>>
      %dma_start3A_26 = tpu.memref_squeeze %dma_start3A_25 : memref<1x160x128xf32, #tpu.memory_space<hbm>> -> memref<160x128xf32, #tpu.memory_space<hbm>>
      %dma_start3A_27 = arith.constant 0 : i32
      %dma_start3A_28 = tpu.memref_slice %arg5[%arg0, %add3A_20, %dma_start3A_27] : memref<2x10240x128xf32, #tpu.memory_space<hbm>> -> memref<1x160x128xf32, #tpu.memory_space<hbm>>
      %dma_start3A_29 = tpu.memref_squeeze %dma_start3A_28 : memref<1x160x128xf32, #tpu.memory_space<hbm>> -> memref<160x128xf32, #tpu.memory_space<hbm>>
      tpu.enqueue_dma source(%arg8 : memref<160x128xf32, #tpu.memory_space<vmem>>) target(%dma_start3A_29 : memref<160x128xf32, #tpu.memory_space<hbm>>) target_semaphore(%run_scoped3A : memref<!tpu.dma_semaphore, #tpu.memory_space<semaphore_mem>>)
      %dma_wait3A = arith.constant 0 : i32
      %dma_wait3A_30 = tpu.memref_slice %arg5[%arg0, %add3A_20, %dma_wait3A] : memref<2x10240x128xf32, #tpu.memory_space<hbm>> -> memref<1x160x128xf32, #tpu.memory_space<hbm>>
      %dma_wait3A_31 = tpu.memref_squeeze %dma_wait3A_30 : memref<1x160x128xf32, #tpu.memory_space<hbm>> -> memref<160x128xf32, #tpu.memory_space<hbm>>
      %dma_wait3A_32 = arith.constant 0 : i32
      %dma_wait3A_33 = tpu.memref_slice %arg5[%arg0, %add3A_20, %dma_wait3A_32] : memref<2x10240x128xf32, #tpu.memory_space<hbm>> -> memref<1x160x128xf32, #tpu.memory_space<hbm>>
      %dma_wait3A_34 = tpu.memref_squeeze %dma_wait3A_33 : memref<1x160x128xf32, #tpu.memory_space<hbm>> -> memref<160x128xf32, #tpu.memory_space<hbm>>
      tpu.wait_dma2 semaphore(%run_scoped3A : memref<!tpu.dma_semaphore, #tpu.memory_space<semaphore_mem>>) src(%arg8 : memref<160x128xf32, #tpu.memory_space<vmem>>) dst(%dma_wait3A_34 : memref<160x128xf32, #tpu.memory_space<hbm>>)
      tpu.yield
    }) : () -> ()
    %add3A_21 = arith.constant 320 : i32
    %add3A_22 = arith.addi %mul3A_2, %add3A_21 : i32
    "tpu.region"() ({
      %run_scoped3A = tpu.sem_alloc : memref<!tpu.dma_semaphore, #tpu.memory_space<semaphore_mem>>
      %dma_start3A = arith.constant 0 : i32
      %dma_start3A_25 = tpu.memref_slice %arg9[%add3A_22, %dma_start3A] : memref<10240x128xf32, #tpu.memory_space<vmem_shared>> -> memref<160x128xf32, #tpu.memory_space<vmem_shared>>
      %dma_start3A_26 = arith.constant 0 : i32
      %dma_start3A_27 = tpu.memref_slice %arg9[%add3A_22, %dma_start3A_26] : memref<10240x128xf32, #tpu.memory_space<vmem_shared>> -> memref<160x128xf32, #tpu.memory_space<vmem_shared>>
      tpu.enqueue_dma source(%dma_start3A_27 : memref<160x128xf32, #tpu.memory_space<vmem_shared>>) target(%arg8 : memref<160x128xf32, #tpu.memory_space<vmem>>) target_semaphore(%run_scoped3A : memref<!tpu.dma_semaphore, #tpu.memory_space<semaphore_mem>>)
      %dma_wait3A = arith.constant 0 : i32
      %dma_wait3A_28 = tpu.memref_slice %arg9[%add3A_22, %dma_wait3A] : memref<10240x128xf32, #tpu.memory_space<vmem_shared>> -> memref<160x128xf32, #tpu.memory_space<vmem_shared>>
      %dma_wait3A_29 = arith.constant 0 : i32
      %dma_wait3A_30 = tpu.memref_slice %arg9[%add3A_22, %dma_wait3A_29] : memref<10240x128xf32, #tpu.memory_space<vmem_shared>> -> memref<160x128xf32, #tpu.memory_space<vmem_shared>>
      tpu.wait_dma2 semaphore(%run_scoped3A : memref<!tpu.dma_semaphore, #tpu.memory_space<semaphore_mem>>) src(%dma_wait3A_30 : memref<160x128xf32, #tpu.memory_space<vmem_shared>>) dst(%arg8 : memref<160x128xf32, #tpu.memory_space<vmem>>)
      tpu.yield
    }) : () -> ()
    "tpu.region"() ({
      %run_scoped3A = tpu.sem_alloc : memref<!tpu.dma_semaphore, #tpu.memory_space<semaphore_mem>>
      %dma_start3A = arith.constant 0 : i32
      %dma_start3A_25 = tpu.memref_slice %arg5[%arg0, %add3A_22, %dma_start3A] : memref<2x10240x128xf32, #tpu.memory_space<hbm>> -> memref<1x160x128xf32, #tpu.memory_space<hbm>>
      %dma_start3A_26 = tpu.memref_squeeze %dma_start3A_25 : memref<1x160x128xf32, #tpu.memory_space<hbm>> -> memref<160x128xf32, #tpu.memory_space<hbm>>
      %dma_start3A_27 = arith.constant 0 : i32
      %dma_start3A_28 = tpu.memref_slice %arg5[%arg0, %add3A_22, %dma_start3A_27] : memref<2x10240x128xf32, #tpu.memory_space<hbm>> -> memref<1x160x128xf32, #tpu.memory_space<hbm>>
      %dma_start3A_29 = tpu.memref_squeeze %dma_start3A_28 : memref<1x160x128xf32, #tpu.memory_space<hbm>> -> memref<160x128xf32, #tpu.memory_space<hbm>>
      tpu.enqueue_dma source(%arg8 : memref<160x128xf32, #tpu.memory_space<vmem>>) target(%dma_start3A_29 : memref<160x128xf32, #tpu.memory_space<hbm>>) target_semaphore(%run_scoped3A : memref<!tpu.dma_semaphore, #tpu.memory_space<semaphore_mem>>)
      %dma_wait3A = arith.constant 0 : i32
      %dma_wait3A_30 = tpu.memref_slice %arg5[%arg0, %add3A_22, %dma_wait3A] : memref<2x10240x128xf32, #tpu.memory_space<hbm>> -> memref<1x160x128xf32, #tpu.memory_space<hbm>>
      %dma_wait3A_31 = tpu.memref_squeeze %dma_wait3A_30 : memref<1x160x128xf32, #tpu.memory_space<hbm>> -> memref<160x128xf32, #tpu.memory_space<hbm>>
      %dma_wait3A_32 = arith.constant 0 : i32
      %dma_wait3A_33 = tpu.memref_slice %arg5[%arg0, %add3A_22, %dma_wait3A_32] : memref<2x10240x128xf32, #tpu.memory_space<hbm>> -> memref<1x160x128xf32, #tpu.memory_space<hbm>>
      %dma_wait3A_34 = tpu.memref_squeeze %dma_wait3A_33 : memref<1x160x128xf32, #tpu.memory_space<hbm>> -> memref<160x128xf32, #tpu.memory_space<hbm>>
      tpu.wait_dma2 semaphore(%run_scoped3A : memref<!tpu.dma_semaphore, #tpu.memory_space<semaphore_mem>>) src(%arg8 : memref<160x128xf32, #tpu.memory_space<vmem>>) dst(%dma_wait3A_34 : memref<160x128xf32, #tpu.memory_space<hbm>>)
      tpu.yield
    }) : () -> ()
    %add3A_23 = arith.constant 480 : i32
    %add3A_24 = arith.addi %mul3A_2, %add3A_23 : i32
    "tpu.region"() ({
      %run_scoped3A = tpu.sem_alloc : memref<!tpu.dma_semaphore, #tpu.memory_space<semaphore_mem>>
      %dma_start3A = arith.constant 0 : i32
      %dma_start3A_25 = tpu.memref_slice %arg9[%add3A_24, %dma_start3A] : memref<10240x128xf32, #tpu.memory_space<vmem_shared>> -> memref<160x128xf32, #tpu.memory_space<vmem_shared>>
      %dma_start3A_26 = arith.constant 0 : i32
      %dma_start3A_27 = tpu.memref_slice %arg9[%add3A_24, %dma_start3A_26] : memref<10240x128xf32, #tpu.memory_space<vmem_shared>> -> memref<160x128xf32, #tpu.memory_space<vmem_shared>>
      tpu.enqueue_dma source(%dma_start3A_27 : memref<160x128xf32, #tpu.memory_space<vmem_shared>>) target(%arg8 : memref<160x128xf32, #tpu.memory_space<vmem>>) target_semaphore(%run_scoped3A : memref<!tpu.dma_semaphore, #tpu.memory_space<semaphore_mem>>)
      %dma_wait3A = arith.constant 0 : i32
      %dma_wait3A_28 = tpu.memref_slice %arg9[%add3A_24, %dma_wait3A] : memref<10240x128xf32, #tpu.memory_space<vmem_shared>> -> memref<160x128xf32, #tpu.memory_space<vmem_shared>>
      %dma_wait3A_29 = arith.constant 0 : i32
      %dma_wait3A_30 = tpu.memref_slice %arg9[%add3A_24, %dma_wait3A_29] : memref<10240x128xf32, #tpu.memory_space<vmem_shared>> -> memref<160x128xf32, #tpu.memory_space<vmem_shared>>
      tpu.wait_dma2 semaphore(%run_scoped3A : memref<!tpu.dma_semaphore, #tpu.memory_space<semaphore_mem>>) src(%dma_wait3A_30 : memref<160x128xf32, #tpu.memory_space<vmem_shared>>) dst(%arg8 : memref<160x128xf32, #tpu.memory_space<vmem>>)
      tpu.yield
    }) : () -> ()
    "tpu.region"() ({
      %run_scoped3A = tpu.sem_alloc : memref<!tpu.dma_semaphore, #tpu.memory_space<semaphore_mem>>
      %dma_start3A = arith.constant 0 : i32
      %dma_start3A_25 = tpu.memref_slice %arg5[%arg0, %add3A_24, %dma_start3A] : memref<2x10240x128xf32, #tpu.memory_space<hbm>> -> memref<1x160x128xf32, #tpu.memory_space<hbm>>
      %dma_start3A_26 = tpu.memref_squeeze %dma_start3A_25 : memref<1x160x128xf32, #tpu.memory_space<hbm>> -> memref<160x128xf32, #tpu.memory_space<hbm>>
      %dma_start3A_27 = arith.constant 0 : i32
      %dma_start3A_28 = tpu.memref_slice %arg5[%arg0, %add3A_24, %dma_start3A_27] : memref<2x10240x128xf32, #tpu.memory_space<hbm>> -> memref<1x160x128xf32, #tpu.memory_space<hbm>>
      %dma_start3A_29 = tpu.memref_squeeze %dma_start3A_28 : memref<1x160x128xf32, #tpu.memory_space<hbm>> -> memref<160x128xf32, #tpu.memory_space<hbm>>
      tpu.enqueue_dma source(%arg8 : memref<160x128xf32, #tpu.memory_space<vmem>>) target(%dma_start3A_29 : memref<160x128xf32, #tpu.memory_space<hbm>>) target_semaphore(%run_scoped3A : memref<!tpu.dma_semaphore, #tpu.memory_space<semaphore_mem>>)
      %dma_wait3A = arith.constant 0 : i32
      %dma_wait3A_30 = tpu.memref_slice %arg5[%arg0, %add3A_24, %dma_wait3A] : memref<2x10240x128xf32, #tpu.memory_space<hbm>> -> memref<1x160x128xf32, #tpu.memory_space<hbm>>
      %dma_wait3A_31 = tpu.memref_squeeze %dma_wait3A_30 : memref<1x160x128xf32, #tpu.memory_space<hbm>> -> memref<160x128xf32, #tpu.memory_space<hbm>>
      %dma_wait3A_32 = arith.constant 0 : i32
      %dma_wait3A_33 = tpu.memref_slice %arg5[%arg0, %add3A_24, %dma_wait3A_32] : memref<2x10240x128xf32, #tpu.memory_space<hbm>> -> memref<1x160x128xf32, #tpu.memory_space<hbm>>
      %dma_wait3A_34 = tpu.memref_squeeze %dma_wait3A_33 : memref<1x160x128xf32, #tpu.memory_space<hbm>> -> memref<160x128xf32, #tpu.memory_space<hbm>>
      tpu.wait_dma2 semaphore(%run_scoped3A : memref<!tpu.dma_semaphore, #tpu.memory_space<semaphore_mem>>) src(%arg8 : memref<160x128xf32, #tpu.memory_space<vmem>>) dst(%dma_wait3A_34 : memref<160x128xf32, #tpu.memory_space<hbm>>)
      tpu.yield
    }) : () -> ()
    return
  }
}

module attributes {stable_mosaic.version = 14 : i64} {
  func.func @_embed_body(%arg0: i32, %arg1: memref<1024x8xf32, #tpu.memory_space<vmem>>, %arg2: memref<8x128xf32, #tpu.memory_space<vmem>>, %arg3: memref<1024x128xf32, #tpu.memory_space<vmem>>) attributes {dimension_semantics = [#tpu.dimension_semantics<arbitrary>], iteration_bounds = array<i64: 10>, scalar_prefetch = 0 : i64, scratch_operands = 0 : i64, tpu.core_type = #tpu.core_type<tc>, window_params = [{transform_indices = @transform_0, window_bounds = array<i64: 1024, 8>}, {pipeline_mode = #tpu.pipeline_mode<synchronous>, transform_indices = @transform_1, window_bounds = array<i64: 8, 128>}, {transform_indices = @transform_2, window_bounds = array<i64: 1024, 128>}]} {
    %get3A = arith.constant 0 : index
    %get3A_0 = arith.constant 0 : index
    %get3A_1 = vector.load %arg1[%get3A, %get3A_0] : memref<1024x8xf32, #tpu.memory_space<vmem>>, vector<1024x8xf32>
    %get3A_2 = arith.constant 0 : index
    %get3A_3 = arith.constant 0 : index
    %get3A_4 = vector.load %arg2[%get3A_2, %get3A_3] : memref<8x128xf32, #tpu.memory_space<vmem>>, vector<8x128xf32>
    %dot_general3A = arith.constant dense<0.000000e+00> : vector<1024x128xf32>
    %dot_general3A_5 = tpu.matmul %get3A_1, %get3A_4, %dot_general3A {dimension_numbers = #tpu.dot_dimension_numbers<[1], [0], [0], [1], [0, 0, 1, 1], [], []>, transpose_lhs_hint = false} : vector<1024x8xf32>, vector<8x128xf32>, vector<1024x128xf32> -> vector<1024x128xf32>
    %swap3A = arith.constant 0 : index
    %swap3A_6 = arith.constant 0 : index
    %swap3A_7 = vector.load %arg3[%swap3A, %swap3A_6] : memref<1024x128xf32, #tpu.memory_space<vmem>>, vector<1024x128xf32>
    tpu.vector_store %arg3[%swap3A, %swap3A_6], %dot_general3A_5 {strides = array<i32>} : memref<1024x128xf32, #tpu.memory_space<vmem>>, vector<1024x128xf32>,
    return
  }
  func.func @transform_0(%arg0: i32) -> (i32, i32) {
    %c0_i32 = arith.constant 0 : i32
    %c0_i32_0 = arith.constant 0 : i32
    return %arg0, %c0_i32 : i32, i32
  }
  func.func @transform_1(%arg0: i32) -> (i32, i32) {
    %c0_i32 = arith.constant 0 : i32
    %c0_i32_0 = arith.constant 0 : i32
    %c0_i32_1 = arith.constant 0 : i32
    return %c0_i32, %c0_i32_0 : i32, i32
  }
  func.func @transform_2(%arg0: i32) -> (i32, i32) {
    %c0_i32 = arith.constant 0 : i32
    %c0_i32_0 = arith.constant 0 : i32
    return %arg0, %c0_i32 : i32, i32
  }
}

module attributes {stable_mosaic.version = 14 : i64} {
  func.func @_edge_body(%arg0: i32, %arg1: memref<2560x4xf32, #tpu.memory_space<vmem>>, %arg2: memref<2560x128xf32, #tpu.memory_space<vmem>>, %arg3: memref<8x128xf32, #tpu.memory_space<vmem>>, %arg4: memref<4x128x128xf32, #tpu.memory_space<vmem>>, %arg5: memref<2560x128xf32, #tpu.memory_space<vmem>>) attributes {dimension_semantics = [#tpu.dimension_semantics<arbitrary>], iteration_bounds = array<i64: 125>, scalar_prefetch = 0 : i64, scratch_operands = 0 : i64, tpu.core_type = #tpu.core_type<tc>, window_params = [{transform_indices = @transform_0, window_bounds = array<i64: 2560, 4>}, {transform_indices = @transform_1, window_bounds = array<i64: 2560, 128>}, {pipeline_mode = #tpu.pipeline_mode<synchronous>, transform_indices = @transform_2, window_bounds = array<i64: 8, 128>}, {pipeline_mode = #tpu.pipeline_mode<synchronous>, transform_indices = @transform_3, window_bounds = array<i64: 4, 128, 128>}, {transform_indices = @transform_4, window_bounds = array<i64: 2560, 128>}]} {
    %get3A = arith.constant 0 : index
    %get3A_0 = arith.constant 0 : index
    %get3A_1 = vector.load %arg1[%get3A, %get3A_0] : memref<2560x4xf32, #tpu.memory_space<vmem>>, vector<2560x4xf32>
    %mul3A = arith.mulf %get3A_1, %get3A_1 : vector<2560x4xf32>
    %reduce_sum3A = arith.constant dense<0.000000e+00> : vector<2560xf32>
    %reduce_sum3A_2 = vector.multi_reduction <add>, %mul3A, %reduce_sum3A [1] : vector<2560x4xf32> to vector<2560xf32>
    %broadcast_in_dim3A = vector.shape_cast %reduce_sum3A_2 : vector<2560xf32> to vector<2560x1xf32>
    %add3A = arith.constant 9.99999996E-13 : f32
    %add3A_3 = vector.broadcast %add3A : f32 to vector<2560x1xf32>
    %add3A_4 = arith.addf %broadcast_in_dim3A, %add3A_3 : vector<2560x1xf32>
    %sqrt3A = math.sqrt %add3A_4 : vector<2560x1xf32>
    %div3A = arith.constant 1.000000e+00 : f32
    %div3A_5 = vector.broadcast %div3A : f32 to vector<2560x1xf32>
    %div3A_6 = arith.divf %div3A_5, %sqrt3A : vector<2560x1xf32>
    %mul3A_7 = vector.broadcast %div3A_6 : vector<2560x1xf32> to vector<2560x4xf32>
    %mul3A_8 = arith.mulf %get3A_1, %mul3A_7 : vector<2560x4xf32>
    %iota3A = tpu.iota {dimensions = array<i32: 1>} : vector<1x8xi32>
    %add3A_9 = arith.constant 1 : i32
    %add3A_10 = vector.broadcast %add3A_9 : i32 to vector<1x8xi32>
    %add3A_11 = arith.addi %iota3A, %add3A_10 : vector<1x8xi32>
    %convert_element_type3A = arith.sitofp %add3A_11 : vector<1x8xi32> to vector<1x8xf32>
    %mul3A_12 = arith.constant 0.628318548 : f32
    %mul3A_13 = vector.broadcast %mul3A_12 : f32 to vector<2560x1xf32>
    %mul3A_14 = arith.mulf %sqrt3A, %mul3A_13 : vector<2560x1xf32>
    %mul3A_15 = vector.broadcast %mul3A_14 : vector<2560x1xf32> to vector<2560x8xf32>
    %mul3A_16 = vector.broadcast %convert_element_type3A : vector<1x8xf32> to vector<2560x8xf32>
    %mul3A_17 = arith.mulf %mul3A_15, %mul3A_16 : vector<2560x8xf32>
    %sqrt3A_18 = arith.constant 4.000000e-01 : f32
    %sqrt3A_19 = math.sqrt %sqrt3A_18 : f32
    %sin3A = math.sin %mul3A_17 : vector<2560x8xf32>
    %mul3A_20 = vector.broadcast %sqrt3A_19 : f32 to vector<2560x8xf32>
    %mul3A_21 = arith.mulf %mul3A_20, %sin3A : vector<2560x8xf32>
    %mul3A_22 = vector.broadcast %div3A_6 : vector<2560x1xf32> to vector<2560x8xf32>
    %mul3A_23 = arith.mulf %mul3A_21, %mul3A_22 : vector<2560x8xf32>
    %mul3A_24 = arith.constant 2.000000e-01 : f32
    %mul3A_25 = vector.broadcast %mul3A_24 : f32 to vector<2560x1xf32>
    %mul3A_26 = arith.mulf %sqrt3A, %mul3A_25 : vector<2560x1xf32>
    %mul3A_27 = arith.mulf %mul3A_26, %mul3A_26 : vector<2560x1xf32>
    %mul3A_28 = arith.mulf %mul3A_27, %mul3A_26 : vector<2560x1xf32>
    %mul3A_29 = arith.mulf %mul3A_28, %mul3A_26 : vector<2560x1xf32>
    %mul3A_30 = arith.mulf %mul3A_29, %mul3A_26 : vector<2560x1xf32>
    %lt3A = arith.constant 1.000000e+00 : f32
    %lt3A_31 = vector.broadcast %lt3A : f32 to vector<2560x1xf32>
    %lt3A_32 = arith.cmpf olt, %mul3A_26, %lt3A_31 : vector<2560x1xf32>
    %mul3A_33 = arith.constant 2.100000e+01 : f32
    %mul3A_34 = vector.broadcast %mul3A_33 : f32 to vector<2560x1xf32>
    %mul3A_35 = arith.mulf %mul3A_34, %mul3A_30 : vector<2560x1xf32>
    %sub3A = arith.constant 1.000000e+00 : f32
    %sub3A_36 = vector.broadcast %sub3A : f32 to vector<2560x1xf32>
    %sub3A_37 = arith.subf %sub3A_36, %mul3A_35 : vector<2560x1xf32>
    %mul3A_38 = arith.constant 3.500000e+01 : f32
    %mul3A_39 = vector.broadcast %mul3A_38 : f32 to vector<2560x1xf32>
    %mul3A_40 = arith.mulf %mul3A_39, %mul3A_30 : vector<2560x1xf32>
    %mul3A_41 = arith.mulf %mul3A_40, %mul3A_26 : vector<2560x1xf32>
    %add3A_42 = arith.addf %sub3A_37, %mul3A_41 : vector<2560x1xf32>
    %mul3A_43 = arith.constant 1.500000e+01 : f32
    %mul3A_44 = vector.broadcast %mul3A_43 : f32 to vector<2560x1xf32>
    %mul3A_45 = arith.mulf %mul3A_44, %mul3A_30 : vector<2560x1xf32>
    %mul3A_46 = arith.mulf %mul3A_45, %mul3A_26 : vector<2560x1xf32>
    %mul3A_47 = arith.mulf %mul3A_46, %mul3A_26 : vector<2560x1xf32>
    %sub3A_48 = arith.subf %add3A_42, %mul3A_47 : vector<2560x1xf32>
    %jit3A = arith.constant 0.000000e+00 : f32
    %broadcast_in_dim3A_49 = vector.broadcast %jit3A : f32 to vector<2560x1xf32>
    %select_n3A = arith.select %lt3A_32, %sub3A_48, %broadcast_in_dim3A_49 : vector<2560x1xi1>, vector<2560x1xf32>
    %mul3A_50 = vector.broadcast %select_n3A : vector<2560x1xf32> to vector<2560x8xf32>
    %mul3A_51 = arith.mulf %mul3A_23, %mul3A_50 : vector<2560x8xf32>
    %get3A_52 = arith.constant 0 : index
    %get3A_53 = arith.constant 0 : index
    %get3A_54 = vector.load %arg3[%get3A_52, %get3A_53] : memref<8x128xf32, #tpu.memory_space<vmem>>, vector<8x128xf32>
    %dot_general3A = arith.constant dense<0.000000e+00> : vector<2560x128xf32>
    %dot_general3A_55 = tpu.matmul %mul3A_51, %get3A_54, %dot_general3A {dimension_numbers = #tpu.dot_dimension_numbers<[1], [0], [0], [1], [0, 0, 1, 1], [], []>, transpose_lhs_hint = false} : vector<2560x8xf32>, vector<8x128xf32>, vector<2560x128xf32> -> vector<2560x128xf32>
    %logistic3A = arith.negf %dot_general3A_55 : vector<2560x128xf32>
    %logistic3A_56 = math.exp %logistic3A : vector<2560x128xf32>
    %logistic3A_57 = arith.constant 1.000000e+00 : f32
    %logistic3A_58 = vector.broadcast %logistic3A_57 : f32 to vector<2560x128xf32>
    %logistic3A_59 = arith.addf %logistic3A_58, %logistic3A_56 : vector<2560x128xf32>
    %logistic3A_60 = arith.divf %logistic3A_58, %logistic3A_59 : vector<2560x128xf32>
    %mul3A_61 = arith.mulf %dot_general3A_55, %logistic3A_60 : vector<2560x128xf32>
    %get3A_62 = arith.constant 0 : index
    %get3A_63 = arith.constant 0 : index
    %get3A_64 = vector.load %arg2[%get3A_62, %get3A_63] : memref<2560x128xf32, #tpu.memory_space<vmem>>, vector<2560x128xf32>
    %mul3A_65 = arith.mulf %get3A_64, %mul3A_61 : vector<2560x128xf32>
    %get3A_66 = arith.constant 0 : index
    %get3A_67 = arith.constant 0 : index
    %get3A_68 = arith.constant 0 : index
    %get3A_69 = vector.load %arg4[%get3A_66, %get3A_67, %get3A_68] : memref<4x128x128xf32, #tpu.memory_space<vmem>>, vector<1x128x128xf32>
    %get3A_70 = vector.shape_cast %get3A_69 : vector<1x128x128xf32> to vector<128x128xf32>
    %dot_general3A_71 = arith.constant dense<0.000000e+00> : vector<2560x128xf32>
    %dot_general3A_72 = tpu.matmul %mul3A_65, %get3A_70, %dot_general3A_71 {dimension_numbers = #tpu.dot_dimension_numbers<[1], [0], [0], [1], [0, 0, 1, 1], [], []>, transpose_lhs_hint = false} : vector<2560x128xf32>, vector<128x128xf32>, vector<2560x128xf32> -> vector<2560x128xf32>
    %get3A_73 = arith.constant 1 : index
    %get3A_74 = arith.constant 0 : index
    %get3A_75 = arith.constant 0 : index
    %get3A_76 = vector.load %arg4[%get3A_73, %get3A_74, %get3A_75] : memref<4x128x128xf32, #tpu.memory_space<vmem>>, vector<1x128x128xf32>
    %get3A_77 = vector.shape_cast %get3A_76 : vector<1x128x128xf32> to vector<128x128xf32>
    %dot_general3A_78 = arith.constant dense<0.000000e+00> : vector<2560x128xf32>
    %dot_general3A_79 = tpu.matmul %mul3A_65, %get3A_77, %dot_general3A_78 {dimension_numbers = #tpu.dot_dimension_numbers<[1], [0], [0], [1], [0, 0, 1, 1], [], []>, transpose_lhs_hint = false} : vector<2560x128xf32>, vector<128x128xf32>, vector<2560x128xf32> -> vector<2560x128xf32>
    %slice3A = vector.extract_strided_slice %mul3A_8 {offsets = [0, 0], sizes = [2560, 1], strides = [1, 1]} : vector<2560x4xf32> to vector<2560x1xf32>
    %mul3A_80 = vector.broadcast %slice3A : vector<2560x1xf32> to vector<2560x128xf32>
    %mul3A_81 = arith.mulf %dot_general3A_79, %mul3A_80 : vector<2560x128xf32>
    %add3A_82 = arith.addf %dot_general3A_72, %mul3A_81 : vector<2560x128xf32>
    %get3A_83 = arith.constant 2 : index
    %get3A_84 = arith.constant 0 : index
    %get3A_85 = arith.constant 0 : index
    %get3A_86 = vector.load %arg4[%get3A_83, %get3A_84, %get3A_85] : memref<4x128x128xf32, #tpu.memory_space<vmem>>, vector<1x128x128xf32>
    %get3A_87 = vector.shape_cast %get3A_86 : vector<1x128x128xf32> to vector<128x128xf32>
    %dot_general3A_88 = arith.constant dense<0.000000e+00> : vector<2560x128xf32>
    %dot_general3A_89 = tpu.matmul %mul3A_65, %get3A_87, %dot_general3A_88 {dimension_numbers = #tpu.dot_dimension_numbers<[1], [0], [0], [1], [0, 0, 1, 1], [], []>, transpose_lhs_hint = false} : vector<2560x128xf32>, vector<128x128xf32>, vector<2560x128xf32> -> vector<2560x128xf32>
    %slice3A_90 = vector.extract_strided_slice %mul3A_8 {offsets = [0, 1], sizes = [2560, 1], strides = [1, 1]} : vector<2560x4xf32> to vector<2560x1xf32>
    %mul3A_91 = vector.broadcast %slice3A_90 : vector<2560x1xf32> to vector<2560x128xf32>
    %mul3A_92 = arith.mulf %dot_general3A_89, %mul3A_91 : vector<2560x128xf32>
    %add3A_93 = arith.addf %add3A_82, %mul3A_92 : vector<2560x128xf32>
    %get3A_94 = arith.constant 3 : index
    %get3A_95 = arith.constant 0 : index
    %get3A_96 = arith.constant 0 : index
    %get3A_97 = vector.load %arg4[%get3A_94, %get3A_95, %get3A_96] : memref<4x128x128xf32, #tpu.memory_space<vmem>>, vector<1x128x128xf32>
    %get3A_98 = vector.shape_cast %get3A_97 : vector<1x128x128xf32> to vector<128x128xf32>
    %dot_general3A_99 = arith.constant dense<0.000000e+00> : vector<2560x128xf32>
    %dot_general3A_100 = tpu.matmul %mul3A_65, %get3A_98, %dot_general3A_99 {dimension_numbers = #tpu.dot_dimension_numbers<[1], [0], [0], [1], [0, 0, 1, 1], [], []>, transpose_lhs_hint = false} : vector<2560x128xf32>, vector<128x128xf32>, vector<2560x128xf32> -> vector<2560x128xf32>
    %slice3A_101 = vector.extract_strided_slice %mul3A_8 {offsets = [0, 2], sizes = [2560, 1], strides = [1, 1]} : vector<2560x4xf32> to vector<2560x1xf32>
    %mul3A_102 = vector.broadcast %slice3A_101 : vector<2560x1xf32> to vector<2560x128xf32>
    %mul3A_103 = arith.mulf %dot_general3A_100, %mul3A_102 : vector<2560x128xf32>
    %add3A_104 = arith.addf %add3A_93, %mul3A_103 : vector<2560x128xf32>
    %swap3A = arith.constant 0 : index
    %swap3A_105 = arith.constant 0 : index
    %swap3A_106 = vector.load %arg5[%swap3A, %swap3A_105] : memref<2560x128xf32, #tpu.memory_space<vmem>>, vector<2560x128xf32>
    tpu.vector_store %arg5[%swap3A, %swap3A_105], %add3A_104 {strides = array<i32>} : memref<2560x128xf32, #tpu.memory_space<vmem>>, vector<2560x128xf32>,
    return
  }
  func.func @transform_0(%arg0: i32) -> (i32, i32) {
    %c0_i32 = arith.constant 0 : i32
    %c0_i32_0 = arith.constant 0 : i32
    return %arg0, %c0_i32 : i32, i32
  }
  func.func @transform_1(%arg0: i32) -> (i32, i32) {
    %c0_i32 = arith.constant 0 : i32
    %c0_i32_0 = arith.constant 0 : i32
    return %arg0, %c0_i32 : i32, i32
  }
  func.func @transform_2(%arg0: i32) -> (i32, i32) {
    %c0_i32 = arith.constant 0 : i32
    %c0_i32_0 = arith.constant 0 : i32
    %c0_i32_1 = arith.constant 0 : i32
    return %c0_i32, %c0_i32_0 : i32, i32
  }
  func.func @transform_3(%arg0: i32) -> (i32, i32, i32) {
    %c0_i32 = arith.constant 0 : i32
    %c0_i32_0 = arith.constant 0 : i32
    %c0_i32_1 = arith.constant 0 : i32
    %c0_i32_2 = arith.constant 0 : i32
    return %c0_i32, %c0_i32_0, %c0_i32_1 : i32, i32, i32
  }
  func.func @transform_4(%arg0: i32) -> (i32, i32) {
    %c0_i32 = arith.constant 0 : i32
    %c0_i32_0 = arith.constant 0 : i32
    return %arg0, %c0_i32 : i32, i32
  }
}

module attributes {stable_mosaic.version = 14 : i64} {
  func.func @_node_body(%arg0: i32, %arg1: memref<2x1024x128xf32, #tpu.memory_space<vmem>>, %arg2: memref<1024x8xf32, #tpu.memory_space<vmem>>, %arg3: memref<8x128xf32, #tpu.memory_space<vmem>>, %arg4: memref<1x128xf32, #tpu.memory_space<vmem>>, %arg5: memref<1024x128xf32, #tpu.memory_space<vmem>>, %arg6: memref<1024x1xf32, #tpu.memory_space<vmem>>) attributes {dimension_semantics = [#tpu.dimension_semantics<arbitrary>], iteration_bounds = array<i64: 10>, scalar_prefetch = 0 : i64, scratch_operands = 0 : i64, tpu.core_type = #tpu.core_type<tc>, window_params = [{transform_indices = @transform_0, window_bounds = array<i64: 2, 1024, 128>}, {transform_indices = @transform_1, window_bounds = array<i64: 1024, 8>}, {pipeline_mode = #tpu.pipeline_mode<synchronous>, transform_indices = @transform_2, window_bounds = array<i64: 8, 128>}, {pipeline_mode = #tpu.pipeline_mode<synchronous>, transform_indices = @transform_3, window_bounds = array<i64: 1, 128>}, {transform_indices = @transform_4, window_bounds = array<i64: 1024, 128>}, {transform_indices = @transform_5, window_bounds = array<i64: 1024, 1>}]} {
    %get3A = arith.constant 0 : index
    %get3A_0 = arith.constant 0 : index
    %get3A_1 = arith.constant 0 : index
    %get3A_2 = vector.load %arg1[%get3A, %get3A_0, %get3A_1] : memref<2x1024x128xf32, #tpu.memory_space<vmem>>, vector<1x1024x128xf32>
    %get3A_3 = vector.shape_cast %get3A_2 : vector<1x1024x128xf32> to vector<1024x128xf32>
    %get3A_4 = arith.constant 1 : index
    %get3A_5 = arith.constant 0 : index
    %get3A_6 = arith.constant 0 : index
    %get3A_7 = vector.load %arg1[%get3A_4, %get3A_5, %get3A_6] : memref<2x1024x128xf32, #tpu.memory_space<vmem>>, vector<1x1024x128xf32>
    %get3A_8 = vector.shape_cast %get3A_7 : vector<1x1024x128xf32> to vector<1024x128xf32>
    %add3A = arith.addf %get3A_3, %get3A_8 : vector<1024x128xf32>
    %mul3A = arith.constant 3.125000e-02 : f32
    %mul3A_9 = vector.broadcast %mul3A : f32 to vector<1024x128xf32>
    %mul3A_10 = arith.mulf %add3A, %mul3A_9 : vector<1024x128xf32>
    %get3A_11 = arith.constant 0 : index
    %get3A_12 = arith.constant 0 : index
    %get3A_13 = vector.load %arg2[%get3A_11, %get3A_12] : memref<1024x8xf32, #tpu.memory_space<vmem>>, vector<1024x8xf32>
    %get3A_14 = arith.constant 0 : index
    %get3A_15 = arith.constant 0 : index
    %get3A_16 = vector.load %arg3[%get3A_14, %get3A_15] : memref<8x128xf32, #tpu.memory_space<vmem>>, vector<8x128xf32>
    %dot_general3A = arith.constant dense<0.000000e+00> : vector<1024x128xf32>
    %dot_general3A_17 = tpu.matmul %get3A_13, %get3A_16, %dot_general3A {dimension_numbers = #tpu.dot_dimension_numbers<[1], [0], [0], [1], [0, 0, 1, 1], [], []>, transpose_lhs_hint = false} : vector<1024x8xf32>, vector<8x128xf32>, vector<1024x128xf32> -> vector<1024x128xf32>
    %mul3A_18 = arith.mulf %mul3A_10, %dot_general3A_17 : vector<1024x128xf32>
    %mul3A_19 = arith.constant 5.000000e-01 : f32
    %mul3A_20 = vector.broadcast %mul3A_19 : f32 to vector<1024x128xf32>
    %mul3A_21 = arith.mulf %mul3A_20, %mul3A_18 : vector<1024x128xf32>
    %mul3A_22 = arith.mulf %mul3A_21, %mul3A_18 : vector<1024x128xf32>
    %add3A_23 = arith.addf %mul3A_18, %mul3A_22 : vector<1024x128xf32>
    %mul3A_24 = arith.constant 0.166666672 : f32
    %mul3A_25 = vector.broadcast %mul3A_24 : f32 to vector<1024x128xf32>
    %mul3A_26 = arith.mulf %mul3A_25, %mul3A_18 : vector<1024x128xf32>
    %mul3A_27 = arith.mulf %mul3A_26, %mul3A_18 : vector<1024x128xf32>
    %mul3A_28 = arith.mulf %mul3A_27, %mul3A_18 : vector<1024x128xf32>
    %add3A_29 = arith.addf %add3A_23, %mul3A_28 : vector<1024x128xf32>
    %swap3A = arith.constant 0 : index
    %swap3A_30 = arith.constant 0 : index
    %swap3A_31 = vector.load %arg5[%swap3A, %swap3A_30] : memref<1024x128xf32, #tpu.memory_space<vmem>>, vector<1024x128xf32>
    tpu.vector_store %arg5[%swap3A, %swap3A_30], %add3A_29 {strides = array<i32>} : memref<1024x128xf32, #tpu.memory_space<vmem>>, vector<1024x128xf32>,
    %get3A_32 = arith.constant 0 : index
    %get3A_33 = arith.constant 0 : index
    %get3A_34 = vector.load %arg4[%get3A_32, %get3A_33] : memref<1x128xf32, #tpu.memory_space<vmem>>, vector<1x128xf32>
    %mul3A_35 = vector.broadcast %get3A_34 : vector<1x128xf32> to vector<1024x128xf32>
    %mul3A_36 = arith.mulf %add3A_29, %mul3A_35 : vector<1024x128xf32>
    %reduce_sum3A = arith.constant dense<0.000000e+00> : vector<1024xf32>
    %reduce_sum3A_37 = vector.multi_reduction <add>, %mul3A_36, %reduce_sum3A [1] : vector<1024x128xf32> to vector<1024xf32>
    %broadcast_in_dim3A = vector.shape_cast %reduce_sum3A_37 : vector<1024xf32> to vector<1024x1xf32>
    %swap3A_38 = arith.constant 0 : index
    %swap3A_39 = arith.constant 0 : index
    %swap3A_40 = vector.load %arg6[%swap3A_38, %swap3A_39] : memref<1024x1xf32, #tpu.memory_space<vmem>>, vector<1024x1xf32>
    tpu.vector_store %arg6[%swap3A_38, %swap3A_39], %broadcast_in_dim3A {strides = array<i32>} : memref<1024x1xf32, #tpu.memory_space<vmem>>, vector<1024x1xf32>,
    return
  }
  func.func @transform_0(%arg0: i32) -> (i32, i32, i32) {
    %c0_i32 = arith.constant 0 : i32
    %c0_i32_0 = arith.constant 0 : i32
    %c0_i32_1 = arith.constant 0 : i32
    return %c0_i32, %arg0, %c0_i32_0 : i32, i32, i32
  }
  func.func @transform_1(%arg0: i32) -> (i32, i32) {
    %c0_i32 = arith.constant 0 : i32
    %c0_i32_0 = arith.constant 0 : i32
    return %arg0, %c0_i32 : i32, i32
  }
  func.func @transform_2(%arg0: i32) -> (i32, i32) {
    %c0_i32 = arith.constant 0 : i32
    %c0_i32_0 = arith.constant 0 : i32
    %c0_i32_1 = arith.constant 0 : i32
    return %c0_i32, %c0_i32_0 : i32, i32
  }
  func.func @transform_3(%arg0: i32) -> (i32, i32) {
    %c0_i32 = arith.constant 0 : i32
    %c0_i32_0 = arith.constant 0 : i32
    %c0_i32_1 = arith.constant 0 : i32
    return %c0_i32, %c0_i32_0 : i32, i32
  }
  func.func @transform_4(%arg0: i32) -> (i32, i32) {
    %c0_i32 = arith.constant 0 : i32
    %c0_i32_0 = arith.constant 0 : i32
    return %arg0, %c0_i32 : i32, i32
  }
  func.func @transform_5(%arg0: i32) -> (i32, i32) {
    %c0_i32 = arith.constant 0 : i32
    %c0_i32_0 = arith.constant 0 : i32
    return %arg0, %c0_i32 : i32, i32
  }
}

module attributes {stable_mosaic.version = 14 : i64} {
  func.func @_node_body(%arg0: i32, %arg1: memref<2x1024x128xf32, #tpu.memory_space<vmem>>, %arg2: memref<1024x8xf32, #tpu.memory_space<vmem>>, %arg3: memref<8x128xf32, #tpu.memory_space<vmem>>, %arg4: memref<1x128xf32, #tpu.memory_space<vmem>>, %arg5: memref<1024x128xf32, #tpu.memory_space<vmem>>, %arg6: memref<1024x1xf32, #tpu.memory_space<vmem>>) attributes {dimension_semantics = [#tpu.dimension_semantics<arbitrary>], iteration_bounds = array<i64: 10>, scalar_prefetch = 0 : i64, scratch_operands = 0 : i64, tpu.core_type = #tpu.core_type<tc>, window_params = [{transform_indices = @transform_0, window_bounds = array<i64: 2, 1024, 128>}, {transform_indices = @transform_1, window_bounds = array<i64: 1024, 8>}, {pipeline_mode = #tpu.pipeline_mode<synchronous>, transform_indices = @transform_2, window_bounds = array<i64: 8, 128>}, {pipeline_mode = #tpu.pipeline_mode<synchronous>, transform_indices = @transform_3, window_bounds = array<i64: 1, 128>}, {transform_indices = @transform_4, window_bounds = array<i64: 1024, 128>}, {transform_indices = @transform_5, window_bounds = array<i64: 1024, 1>}]} {
    %get3A = arith.constant 0 : index
    %get3A_0 = arith.constant 0 : index
    %get3A_1 = arith.constant 0 : index
    %get3A_2 = vector.load %arg1[%get3A, %get3A_0, %get3A_1] : memref<2x1024x128xf32, #tpu.memory_space<vmem>>, vector<1x1024x128xf32>
    %get3A_3 = vector.shape_cast %get3A_2 : vector<1x1024x128xf32> to vector<1024x128xf32>
    %get3A_4 = arith.constant 1 : index
    %get3A_5 = arith.constant 0 : index
    %get3A_6 = arith.constant 0 : index
    %get3A_7 = vector.load %arg1[%get3A_4, %get3A_5, %get3A_6] : memref<2x1024x128xf32, #tpu.memory_space<vmem>>, vector<1x1024x128xf32>
    %get3A_8 = vector.shape_cast %get3A_7 : vector<1x1024x128xf32> to vector<1024x128xf32>
    %add3A = arith.addf %get3A_3, %get3A_8 : vector<1024x128xf32>
    %mul3A = arith.constant 3.125000e-02 : f32
    %mul3A_9 = vector.broadcast %mul3A : f32 to vector<1024x128xf32>
    %mul3A_10 = arith.mulf %add3A, %mul3A_9 : vector<1024x128xf32>
    %get3A_11 = arith.constant 0 : index
    %get3A_12 = arith.constant 0 : index
    %get3A_13 = vector.load %arg2[%get3A_11, %get3A_12] : memref<1024x8xf32, #tpu.memory_space<vmem>>, vector<1024x8xf32>
    %get3A_14 = arith.constant 0 : index
    %get3A_15 = arith.constant 0 : index
    %get3A_16 = vector.load %arg3[%get3A_14, %get3A_15] : memref<8x128xf32, #tpu.memory_space<vmem>>, vector<8x128xf32>
    %dot_general3A = arith.constant dense<0.000000e+00> : vector<1024x128xf32>
    %dot_general3A_17 = tpu.matmul %get3A_13, %get3A_16, %dot_general3A {dimension_numbers = #tpu.dot_dimension_numbers<[1], [0], [0], [1], [0, 0, 1, 1], [], []>, transpose_lhs_hint = false} : vector<1024x8xf32>, vector<8x128xf32>, vector<1024x128xf32> -> vector<1024x128xf32>
    %mul3A_18 = arith.mulf %mul3A_10, %dot_general3A_17 : vector<1024x128xf32>
    %mul3A_19 = arith.constant 5.000000e-01 : f32
    %mul3A_20 = vector.broadcast %mul3A_19 : f32 to vector<1024x128xf32>
    %mul3A_21 = arith.mulf %mul3A_20, %mul3A_18 : vector<1024x128xf32>
    %mul3A_22 = arith.mulf %mul3A_21, %mul3A_18 : vector<1024x128xf32>
    %add3A_23 = arith.addf %mul3A_18, %mul3A_22 : vector<1024x128xf32>
    %mul3A_24 = arith.constant 0.166666672 : f32
    %mul3A_25 = vector.broadcast %mul3A_24 : f32 to vector<1024x128xf32>
    %mul3A_26 = arith.mulf %mul3A_25, %mul3A_18 : vector<1024x128xf32>
    %mul3A_27 = arith.mulf %mul3A_26, %mul3A_18 : vector<1024x128xf32>
    %mul3A_28 = arith.mulf %mul3A_27, %mul3A_18 : vector<1024x128xf32>
    %add3A_29 = arith.addf %add3A_23, %mul3A_28 : vector<1024x128xf32>
    %swap3A = arith.constant 0 : index
    %swap3A_30 = arith.constant 0 : index
    %swap3A_31 = vector.load %arg5[%swap3A, %swap3A_30] : memref<1024x128xf32, #tpu.memory_space<vmem>>, vector<1024x128xf32>
    tpu.vector_store %arg5[%swap3A, %swap3A_30], %add3A_29 {strides = array<i32>} : memref<1024x128xf32, #tpu.memory_space<vmem>>, vector<1024x128xf32>,
    %get3A_32 = arith.constant 0 : index
    %get3A_33 = arith.constant 0 : index
    %get3A_34 = vector.load %arg4[%get3A_32, %get3A_33] : memref<1x128xf32, #tpu.memory_space<vmem>>, vector<1x128xf32>
    %mul3A_35 = vector.broadcast %get3A_34 : vector<1x128xf32> to vector<1024x128xf32>
    %mul3A_36 = arith.mulf %add3A_29, %mul3A_35 : vector<1024x128xf32>
    %reduce_sum3A = arith.constant dense<0.000000e+00> : vector<1024xf32>
    %reduce_sum3A_37 = vector.multi_reduction <add>, %mul3A_36, %reduce_sum3A [1] : vector<1024x128xf32> to vector<1024xf32>
    %broadcast_in_dim3A = vector.shape_cast %reduce_sum3A_37 : vector<1024xf32> to vector<1024x1xf32>
    %swap3A_38 = arith.constant 0 : index
    %swap3A_39 = arith.constant 0 : index
    %swap3A_40 = vector.load %arg6[%swap3A_38, %swap3A_39] : memref<1024x1xf32, #tpu.memory_space<vmem>>, vector<1024x1xf32>
    tpu.vector_store %arg6[%swap3A_38, %swap3A_39], %broadcast_in_dim3A {strides = array<i32>} : memref<1024x1xf32, #tpu.memory_space<vmem>>, vector<1024x1xf32>,
    return
  }
  func.func @transform_0(%arg0: i32) -> (i32, i32, i32) {
    %c0_i32 = arith.constant 0 : i32
    %c0_i32_0 = arith.constant 0 : i32
    %c0_i32_1 = arith.constant 0 : i32
    return %c0_i32, %arg0, %c0_i32_0 : i32, i32, i32
  }
  func.func @transform_1(%arg0: i32) -> (i32, i32) {
    %c0_i32 = arith.constant 0 : i32
    %c0_i32_0 = arith.constant 0 : i32
    return %arg0, %c0_i32 : i32, i32
  }
  func.func @transform_2(%arg0: i32) -> (i32, i32) {
    %c0_i32 = arith.constant 0 : i32
    %c0_i32_0 = arith.constant 0 : i32
    %c0_i32_1 = arith.constant 0 : i32
    return %c0_i32, %c0_i32_0 : i32, i32
  }
  func.func @transform_3(%arg0: i32) -> (i32, i32) {
    %c0_i32 = arith.constant 0 : i32
    %c0_i32_0 = arith.constant 0 : i32
    %c0_i32_1 = arith.constant 0 : i32
    return %c0_i32, %c0_i32_0 : i32, i32
  }
  func.func @transform_4(%arg0: i32) -> (i32, i32) {
    %c0_i32 = arith.constant 0 : i32
    %c0_i32_0 = arith.constant 0 : i32
    return %arg0, %c0_i32 : i32, i32
  }
  func.func @transform_5(%arg0: i32) -> (i32, i32) {
    %c0_i32 = arith.constant 0 : i32
    %c0_i32_0 = arith.constant 0 : i32
    return %arg0, %c0_i32 : i32, i32
  }
}

</mosaic_0001>

<sc_bundles>
// kernel: kernel.11.cloned.1.call-start
scs
__scs_entry_jumppad:
0x0: {  	(pc) =	sbr.rel $0x88, $3  }
0x1: {  	(tag) =	ssettag $0x0;
	lr =	simm.s32 $0x1  }
0x2: {  	[smem:$0x3F98] =	sst lr;
	_ =	strace $0xD0000000  }
0x3: {  	_ = 	snop  }
0x4: {  	_ = 	snop  }
0x5: {  	_ = 	snop  }
0x6: {  	_ = 	snop  }
0x7: {  	_ = 	snop  }
__scs_overlays_trampoline_lowered:
0x8: {  	[smem:$0x3FA7] =	sst s0  }
0x9: {  	[smem:$0x3FA8] =	sst s1  }
0xa: {  	[smem:$0x3FA9] =	sst s2  }
0xb: {  	[smem:$0x3FAA] =	sst s3  }
0xc: {  	[smem:$0x3FAB] =	sst s4  }
0xd: {  	[smem:$0x3FAC] =	sst s5  }
0xe: {  	[smem:$0x3FAD] =	sst s6  }
0xf: {  	[smem:$0x3FAE] =	sst s7  }
0x10: {  	[smem:$0x3FAF] =	sst s8  }
0x11: {  	[smem:$0x3FB0] =	sst s9;
	s0 =	simm.s32 @!p0 $0x0  }
0x12: {  	s1 =	sld [smem:$0x3F96];
	s0 =	simm.s32 @p0 $0x1  }
0x13: {  	[smem:$0x3FB1] =	sst s0;
	s0 =	simm.s32 @!p1 $0x0  }
0x14: {  	s2 =	sld [smem:$0x3F95];
	s0 =	simm.s32 @p1 $0x1  }
0x15: {  	[smem:$0x3FB2] =	sst s0;
	s0 =	simm.s32 @!p2 $0x0  }
0x16: {  	s3 =	sld [smem:$0x3FDB];
	s0 =	simm.s32 @p2 $0x1  }
0x17: {  	s4 =	simm.s32 $0x1BF5;
	[smem:$0x3FB4] =	sst s0  }
0x18: {  	s0 =	sld [smem:$0x3F97];
	_ =	swait.ge [sflag:s4], $0x0  }
0x19: {  	s7 =	sld [smem:$0x3F98]  }
0x1a: {  	s8 =	sadd.s32 $0xFFFFE003, lr  }
0x1b: {  	s9 =	sadd.s32 $0xFFFFFEF7, lr;
	s5 =	simm.s32 $0xFFFFFFFF;
	p2 =	slt.u32 s8, $0xFFFFF086  }
0x1c: {  	p1 =	slt.u32 s9, $0xF7A;
	s5 =	simm.s32 @!p2 $0x0  }
0x1d: {  	s5 =	simm.s32 @p1 $0x1;
	p0 =	seq.s32 s7, s2  }
0x1e: {  	s7 =	smul.u32 @!p0 $0xF7A, s2;
	p2 =	seq.s32 @!p0 s5, $0x0  }
0x1f: {  	s9 =	smul.u32 $0xF7A, s1;
	s8 =	simm.s32 @!p0 $0x1BF5;
	p2 =	por !p2, p0  }
0x20: {  	[sflag:s8] =	ssyncset.s32 @!p0 $0xFFFFF086;
	s6 =	sadd.s32 @!p0 s3, s7;
	s7 =	simm.s32 @!p0 $0x108  }
0x21: {  	s3 =	sadd.s32 s3, s9;
	s6 =	sadd.s32 @!p0 $0x88, s6;
	s7 =	simm.s32 @p2 $0x1082  }
0x22: {  	[simem:s7], [sflag:s8] =	dma.local @!p0 [hbm:s6], $0xF7A  }
0x23: {  	s9 =	sor.u32 $0xD0000000, s2;
	s6 =	simm.s32 $0x108;
	_ =	swait.ge @!p0 [sflag:s8], $0x0  }
0x24: {  	s3 =	sadd.s32 $0x88, s3;
	s6 =	simm.s32 @!p1 $0x1082;
	[sflag:s4] =	ssyncset.s32 $0xFFFFF086  }
0x25: {  	[simem:s6], [sflag:s4] =	dma.local [hbm:s3], $0xF7A  }
0x26: {  	[smem:$0x3F98] =	sst s1;
	(tag) =	ssettag s2;
	_ =	strace s9  }
0x27: {  	s1 =	sld [smem:$0x3FA8]  }
0x28: {  	s2 =	sld [smem:$0x3FA9]  }
0x29: {  	s4 =	sld [smem:$0x3FAB]  }
0x2a: {  	p0 =	seq.s32 s5, $0x0;
	s5 =	sld [smem:$0x3FAC]  }
0x2b: {  	s6 =	sld [smem:$0x3FAD]  }
0x2c: {  	s7 =	sld [smem:$0x3FAE]  }
0x2d: {  	s3 =	simm.s32 $0x108;
	s8 =	sld [smem:$0x3FAF]  }
0x2e: {  	s3 =	simm.s32 @!p0 $0x1082;
	s9 =	sld [smem:$0x3FB0]  }
0x2f: {  	lr =	sadd.s32 s0, s3;
	s0 =	sld [smem:$0x3FA7]  }
0x30: {  	s3 =	sld [smem:$0x3FAA]  }
0x31: {  	[smem:$0x3FB3] =	sst s10  }
0x32: {  	s10 =	sld [smem:$0x3FB1];
	_ =	sdelay $0x3  }
0x33: {  	p0 =	seq.s32 s10, $0x1;
	s10 =	sld [smem:$0x3FB3];
	_ =	sdelay $0x3  }
0x34: {  	[smem:$0x3FB3] =	sst s10  }
0x35: {  	s10 =	sld [smem:$0x3FB2];
	_ =	sdelay $0x3  }
0x36: {  	p1 =	seq.s32 s10, $0x1;
	s10 =	sld [smem:$0x3FB3];
	_ =	sdelay $0x3  }
0x37: {  	[smem:$0x3FB3] =	sst s10  }
0x38: {  	s10 =	sld [smem:$0x3FB4]  }
0x39: {  	_ = 	snop;
	(pc) =	sbr.ind lr, $3  }
0x3a: {  	_ = 	snop  }
0x3b: {  	_ = 	snop  }
0x3c: {  	p2 =	seq.s32 s10, $0x1;
	s10 =	sld [smem:$0x3FB3]  }
0x3d: {  	_ =	shalt  }
0x3e: {  	_ =	shalt  }
0x3f: {  	_ =	shalt  }
0x40: {  	_ =	shalt  }
0x41: {  	_ =	shalt  }
0x42: {  	_ =	shalt  }
0x43: {  	_ =	shalt  }
0x44: {  	_ =	shalt  }
0x45: {  	_ =	shalt  }
0x46: {  	_ =	shalt  }
0x47: {  	_ =	shalt  }
0x48: {  	_ =	shalt  }
0x49: {  	_ =	shalt  }
0x4a: {  	_ =	shalt  }
0x4b: {  	_ =	shalt  }
0x4c: {  	_ =	shalt  }
0x4d: {  	_ =	shalt  }
0x4e: {  	_ =	shalt  }
0x4f: {  	_ =	shalt  }
0x50: {  	_ =	shalt  }
0x51: {  	_ =	shalt  }
0x52: {  	_ =	shalt  }
0x53: {  	_ =	shalt  }
0x54: {  	_ =	shalt  }
0x55: {  	_ =	shalt  }
0x56: {  	_ =	shalt  }
0x57: {  	_ =	shalt  }
0x58: {  	_ =	shalt  }
0x59: {  	_ =	shalt  }
0x5a: {  	_ =	shalt  }
0x5b: {  	_ =	shalt  }
0x5c: {  	_ =	shalt  }
0x5d: {  	_ =	shalt  }
0x5e: {  	_ =	shalt  }
0x5f: {  	_ =	shalt  }
0x60: {  	_ =	shalt  }
0x61: {  	_ =	shalt  }
0x62: {  	_ =	shalt  }
0x63: {  	_ =	shalt  }
0x64: {  	_ =	shalt  }
0x65: {  	_ =	shalt  }
0x66: {  	_ =	shalt  }
0x67: {  	_ =	shalt  }
0x68: {  	_ =	shalt  }
0x69: {  	_ =	shalt  }
0x6a: {  	_ =	shalt  }
0x6b: {  	_ =	shalt  }
0x6c: {  	_ =	shalt  }
0x6d: {  	_ =	shalt  }
0x6e: {  	_ =	shalt  }
0x6f: {  	_ =	shalt  }
0x70: {  	_ =	shalt  }
0x71: {  	_ =	shalt  }
0x72: {  	_ =	shalt  }
0x73: {  	_ =	shalt  }
0x74: {  	_ =	shalt  }
0x75: {  	_ =	shalt  }
0x76: {  	_ =	shalt  }
0x77: {  	_ =	shalt  }
0x78: {  	_ =	shalt  }
0x79: {  	_ =	shalt  }
0x7a: {  	_ =	shalt  }
0x7b: {  	_ =	shalt  }
0x7c: {  	_ =	shalt  }
0x7d: {  	_ =	shalt  }
0x7e: {  	_ =	shalt  }
0x7f: {  	_ =	shalt  }
0x80: {  	_ =	shalt  }
0x81: {  	_ =	shalt  }
0x82: {  	_ =	shalt  }
0x83: {  	_ =	shalt  }
0x84: {  	_ =	shalt  }
0x85: {  	_ =	shalt  }
0x86: {  	_ =	shalt  }
0x87: {  	_ =	shalt  }
.Lfunc_end0:
.L_simem_size_0:
called_computation_lowered:
.L_overlay_start_0:
0x88: {  	s2 =	sld [smem:$0x3FD9]  }
0x89: {  	s3 =	sld [smem:$0x3FFE];
	_ =	sdelay $0x1  }
0x8a: {  	s1 =	srdreg.scid  }
0x8b: {  	s0 =	sand.u32 $0x1, s1  }
0x8c: {  	s17 =	sshll.u32 s0, $0xA;
	s2 =	sadd.s32 s3, s2  }
0x8d: {  	s2 =	sadd.s32 s2, s17  }
0x8e: {  	[smem:$0x3FBF] =	sst s2  }
0x8f: {  	_ = 	snop  }
0x90: {  	s2 =	sld [smem:$0x3FC7];
	(tm) =	ssettm $0x1  }
0x91: {  	s18 =	sld [smem:$0x3FFB];
	_ =	sdelay $0x3  }
0x92: {  	_ =	strace s18  }
0x93: {  	s3 =	sld [smem:$0x3FFC];
	_ =	sdelay $0x3  }
0x94: {  	_ =	strace s3  }
0x95: {  	s3 =	sld [smem:$0x3FFD];
	_ =	sdelay $0x3  }
0x96: {  	_ =	strace s3  }
0x97: {  	_ =	strace $0x8FFFFFFF  }
0x98: {  	s19 =	sld [smem:$0x3FDB];
	_ =	sdelay $0x1  }
0x99: {  	s4 =	simm.s32 $_scs_section_size  }
0x9a: {  	s5 =	simm.s32 $_size__tile_overlayer_lowered;
	s6 =	simm.s32 $_tile_overlayer_lowered  }
0x9b: {  	s22 =	simm.s32 $0x1BFF;
	s21 =	sshll.u32 s6, $0x1;
	s3 =	sadd.s32 s4, s19  }
0x9c: {  	s7 =	simm.s32 $0x0;
	s20 =	sshll.u32 s5, $0x1;
	s5 =	sadd.s32 s21, s3  }
0x9d: {  	[timem:s7], [sflag:s22] =	dma.local [hbm:s5], s20  }
0x9e: {  	_ =	swait.ge [sflag:s22], s20  }
0x9f: {  	s4 =	ssub.s32 $0x0, s20;
	[sflag:s22] =	ssyncset.done $0x0  }
0xa0: {  	[sflag:s22] =	ssyncadd.s32 s4;
	_ =	sdelay $0x1  }
0xa1: {  	s23 =	simm.s32 $0x1B8B  }
0xa2: {  	_ =	swait.ge [sflag:s23], $0x1  }
0xa3: {  	[sflag:s23] =	ssyncset.done $0x0  }
0xa4: {  	s25 =	simm.s32 $0x1B8E;
	s24 =	sld [smem:$0x3FFE];
	[sflag:s23] =	ssyncadd.s32 $0xFFFFFFFF  }
0xa5: {  	s26 =	simm.s32 $execute0_lowered;
	[smem:$0x3FD2] =	sst s25  }
0xa6: {  	s5 =	sshll.u32 s26, $0x1;
	_ =	strace $0x80000046;
	[dreg:$0x1] =	wrdreg $0xFFFFFFFF  }
0xa7: {  	s28 =	simm.s32 $_size_execute0_lowered;
	s3 =	sadd.s32 s3, s5;
	[dreg:$0x0] =	wrdreg $0x0  }
0xa8: {  	s5 =	sshll.u32 s28, $0x1;
	[dreg:$0x2] =	wrdreg s3  }
0xa9: {  	[dreg:$0x3] =	wrdreg s5  }
0xaa: {  	[dreg:$0x4] =	wrdreg $0xC0  }
0xab: {  	_ =	task [dreg:s7], $0x5FFFF  }
0xac: {  	[dreg:$0x1] =	wrdreg $0xFFFFFFFF  }
0xad: {  	[dreg:$0x0] =	wrdreg $0x60  }
0xae: {  	[dreg:$0x2] =	wrdreg s24  }
0xaf: {  	[dreg:$0x3] =	wrdreg s2  }
0xb0: {  	[dreg:$0x4] =	wrdreg $0x9  }
0xb1: {  	_ =	task.clear_ibuf [dreg:s7], $0x5FFFF;
	_ =	strace $0x90000046  }
0xb2: {  	s29 =	simm.s32 $0x9;
	_ =	strace $0x80000048  }
0xb3: {  	_ =	swait.ge [sflag:s29], $0x1  }
0xb4: {  	[sflag:s29] =	ssyncadd.s32 $0xFFFFFFFF  }
0xb5: {  	_ =	strace $0x90000048  }
0xb6: {  	_ =	sfence  }
0xb7: {  	s30 =	sld [smem:$0x0];
	_ =	sdelay $0x2  }
0xb8: {  	s31 =	sshll.u32 s1, $0xD;
	s1 =	sshrl.u32 s1, $0x2  }
0xb9: {  	s3 =	sand.u32 $0x4000, s31;
	s1 =	sadd.s32 s1, s30  }
0xba: {  	s0 =	sor.u32 s3, s0;
	s1 =	sshll.u32 s1, $0x11  }
0xbb: {  	s0 =	sor.u32 s1, s0  }
0xbc: {  	s0 =	sadd.s32 $0x8F2B, s0  }
0xbd: {  	[sflag:s0] =	ssyncadd.remote.s32 $0x1  }
0xbe: {  	_ =	sfence.sel $0xFFFF  }
0xbf: {  	[dreg:$0x0] =	wrdreg $0xFFFFFFFF;
	(pc) =	sbr.abs _section_cstart, $3  }
0xc0: {  	[dreg:$0x1] =	wrdreg $0xFFFFFFFF  }
0xc1: {  	_ =	task.clear_ibuf [dreg:s7], $0x2FFFF;
	_ =	strace $0x9FFFFFFF  }
0xc2: {  	(tm) =	ssettm $0x7FFFFFFF  }
0xc3: {  	_ =	shalt  }
tec
execute0_lowered:
.L_overlay_start_1:
0x0: {  	(tag) =	ssettag $0x1  }
0x1: {  	s4 =	rddreg [dreg:$0x0]  }
0x2: {  	s0 =	stileid.u32;
	s1 =	srdreg.scid  }
0x3: {  	s6 =	rddreg [dreg:$0x1];
	s5 =	smul.u32 $0x4E200, s0  }
0x4: {  	s2 =	simm.s32 $0x0;
	s3 =	sand.u32 $0x1, s1;
	s8 =	smul.u32 $0x4E20, s0  }
0x5: {  	s11 =	simm.s32 $0x0;
	s1 =	rddreg [dreg:$0x2];
	s7 =	smul.u32 $0x27100, s3  }
0x6: {  	[smem:$0x7FF] =	sst s2;
	s9 =	ssub.s32 $0x2, s3;
	s10 =	smul.u32 $0x2710, s3  }
0x7: {  	s3 =	sadd.s32 $0x2BC00, s4;
	s4 =	sadd.s32 s5, s4;
	s30 =	sshrl.u32 s9, $0x1  }
0x8: {  	_ =	strace $0x80000047;
	s5 =	ssub.s32 s9, s30;
	s7 =	sadd.s32 s7, s4  }
0x9: {  	s8 =	sadd.s32 s10, s8;
	s9 =	simm.s32 $0x80;
	s10 =	simm.s32 $0x1  }
0xa: {  	s4 =	smax.u32 s5, $0x1;
	s5 =	sadd.s32 $0x53C00, s7;
	s31 =	sshrl.u32 s8, $0x3  }
0xb: {  	s7 =	simm.s32 $0x2;
	s8 =	simm.s32 $0x50;
	s6 =	sadd.s32 s31, s6  }
.LBB2_1:
0xc: {  	s12 =	sadd.s32 $0x0, s6  }
0xd: {  	[tilespmem:s2], [sflag:$0x2] =	stream.linear.gather [hbm4b:s12+s2], $0x50, $0x38;
	[tilespmem:$0x2880] =	vst v63  }
0xe: {  	_ =	swait.ge [sflag:s7], $0x50  }
0xf: {  	[sflag:s7] =	ssyncset.done $0x0  }
0x10: {  	[sflag:s7] =	ssyncadd.s32 $0xFFFFFFB0  }
0x11: {  	[tilespmem:s9], [sflag:$0x1] =	stream.indirect.gather [hbm4b:s3+s8], $0x80, s2, s8, $0xb8;
	[tilespmem:$0x2880] =	vst v63  }
0x12: {  	_ =	swait.ge [sflag:s10], $0x2800  }
0x13: {  	[sflag:s10] =	ssyncset.done $0x0  }
0x14: {  	[sflag:s10] =	ssyncadd.s32 $0xFFFFD800  }
0x15: {  	[hbm4b:s5+s2] =	stream.linear.scatter [tilespmem:s9], [sflag:$0x2], $0x2800, $0x38;
	[tilespmem:$0x2880] =	vst v63  }
0x16: {  	s13 =	simm.s32 $0xA;
	_ =	swait.ge [sflag:s7], $0x2800  }
0x17: {  	s14 =	simm.s32 $0x14;
	s12 =	sadd.s32 $0x500, s5;
	[sflag:s7] =	ssyncset.done $0x0  }
.LBB2_2:
0x18: {  	s15 =	sadd.s32 s13, s6  }
0x19: {  	[sflag:s7] =	ssyncadd.s32 $0xFFFFD800;
	s13 =	smov.u32 s14;
	s16 =	sadd.s32 $0xA, s14  }
0x1a: {  	[tilespmem:s2], [sflag:$0x2] =	stream.linear.gather [hbm4b:s15+s2], $0x50, $0x38;
	[tilespmem:$0x2880] =	vst v63  }
0x1b: {  	p0 =	sne.s32 s14, $0x4D8;
	_ =	swait.ge [sflag:s7], $0x50  }
0x1c: {  	[sflag:s7] =	ssyncset.done $0x0  }
0x1d: {  	[sflag:s7] =	ssyncadd.s32 $0xFFFFFFB0  }
0x1e: {  	[tilespmem:s9], [sflag:$0x1] =	stream.indirect.gather [hbm4b:s3+s8], $0x80, s2, s8, $0xb8;
	[tilespmem:$0x2880] =	vst v63  }
0x1f: {  	_ =	swait.ge [sflag:s10], $0x2800  }
.Ltmp0:
0x20: {  	[sflag:s10] =	ssyncset.done $0x0;
	(pc) =	sbr.rel @p0 .LBB2_2-.Ltmp0, $4  }
0x21: {  	[sflag:s10] =	ssyncadd.s32 $0xFFFFD800  }
0x22: {  	[hbm4b:s12+s2] =	stream.linear.scatter [tilespmem:s9], [sflag:$0x2], $0x2800, $0x38;
	[tilespmem:$0x2880] =	vst v63  }
0x23: {  	_ =	swait.ge [sflag:s7], $0x2800  }
0x24: {  	s14 =	smov.u32 s16;
	s12 =	sadd.s32 $0x500, s12;
	[sflag:s7] =	ssyncset.done $0x0  }
0x25: {  	s13 =	sadd.s32 s13, s6;
	[sflag:s7] =	ssyncadd.s32 $0xFFFFD800  }
0x26: {  	[tilespmem:s2], [sflag:$0x2] =	stream.linear.gather [hbm4b:s13+s2], $0x50, $0x38;
	[tilespmem:$0x2880] =	vst v63  }
0x27: {  	_ =	swait.ge [sflag:s7], $0x50  }
0x28: {  	[sflag:s7] =	ssyncset.done $0x0  }
0x29: {  	[sflag:s7] =	ssyncadd.s32 $0xFFFFFFB0  }
0x2a: {  	[tilespmem:s9], [sflag:$0x1] =	stream.indirect.gather [hbm4b:s3+s8], $0x80, s2, s8, $0xb8;
	[tilespmem:$0x2880] =	vst v63  }
0x2b: {  	s11 =	sadd.s32 $0x1, s11;
	_ =	swait.ge [sflag:s10], $0x2800  }
0x2c: {  	p0 =	sne.s32 s11, s4;
	[sflag:s10] =	ssyncset.done $0x0  }
.Ltmp1:
0x2d: {  	[sflag:s10] =	ssyncadd.s32 $0xFFFFD800;
	(pc) =	sbr.rel @p0 .LBB2_1-.Ltmp1, $4  }
0x2e: {  	[hbm4b:s12+s2] =	stream.linear.scatter [tilespmem:s9], [sflag:$0x2], $0x2800, $0x38;
	[tilespmem:$0x2880] =	vst v63  }
0x2f: {  	_ =	swait.ge [sflag:s7], $0x2800  }
0x30: {  	[sflag:s7] =	ssyncset.done $0x0  }
0x31: {  	[sflag:s7] =	ssyncadd.s32 $0xFFFFD800  }
0x32: {  	_ =	sfence.sel $0x180000  }
0x33: {  	[bflag:$0x0] =	sbarrier.arrive $0xFFFF  }
0x34: {  	p0 =	sne.s32 s0, $0x0;
	_ =	strace $0x90000047  }
0x35: {  	s0 =	sadd.s32 @!p0 $0x100000, s1;
	[bflag:$0x2] =	sbarrier.arrive $0xFFFF  }
0x36: {  	[sflag:s0] =	ssyncadd.tile.s32 @!p0 $0x1;
	_ =	shalt  }
.Lfunc_end2:
_tile_overlayer_lowered:
.L_overlay_start_2:
0x37: {  	(tag) =	ssettag $0x2  }
0x38: {  	s0 =	rddreg [dreg:$0x0];
	s2 =	stileid.u32  }
0x39: {  	s1 =	rddreg [dreg:$0x1];
	p0 =	sne.s32 s2, $0x0  }
0x3a: {  	s3 =	rddreg [dreg:$0x2];
	[bflag:$0x3] =	sbarrier.arrive $0xFFFF;
	s2 =	simm.s32 @!p0 $0x1C02  }
0x3b: {  	[timem:s3], [sflag:s2] =	dma.local @!p0 [hbm:s0], s1  }
0x3c: {  	s0 =	simm.s32 @!p0 $0x2  }
0x3d: {  	_ =	swait.ge @!p0 [sflag:s0], s1  }
0x3e: {  	s1 =	ssub.s32 @!p0 $0x0, s1;
	[sflag:s0] =	ssyncset.done @!p0 $0x0  }
0x3f: {  	[sflag:s0] =	ssyncadd.s32 @!p0 s1  }
0x40: {  	[bflag:$0x3] =	sbarrier.arrive $0xFFFF  }
0x41: {  	_ =	shalt  }

// kernel: kernel.14.cloned.1.call-start
scs
__scs_entry_jumppad:
0x0: {  	(pc) =	sbr.rel $0x88, $3  }
0x1: {  	(tag) =	ssettag $0x0;
	lr =	simm.s32 $0x1  }
0x2: {  	[smem:$0x3F98] =	sst lr;
	_ =	strace $0xD0000000  }
0x3: {  	_ = 	snop  }
0x4: {  	_ = 	snop  }
0x5: {  	_ = 	snop  }
0x6: {  	_ = 	snop  }
0x7: {  	_ = 	snop  }
__scs_overlays_trampoline_lowered:
0x8: {  	[smem:$0x3FA7] =	sst s0  }
0x9: {  	[smem:$0x3FA8] =	sst s1  }
0xa: {  	[smem:$0x3FA9] =	sst s2  }
0xb: {  	[smem:$0x3FAA] =	sst s3  }
0xc: {  	[smem:$0x3FAB] =	sst s4  }
0xd: {  	[smem:$0x3FAC] =	sst s5  }
0xe: {  	[smem:$0x3FAD] =	sst s6  }
0xf: {  	[smem:$0x3FAE] =	sst s7  }
0x10: {  	[smem:$0x3FAF] =	sst s8  }
0x11: {  	[smem:$0x3FB0] =	sst s9;
	s0 =	simm.s32 @!p0 $0x0  }
0x12: {  	s1 =	sld [smem:$0x3F96];
	s0 =	simm.s32 @p0 $0x1  }
0x13: {  	[smem:$0x3FB1] =	sst s0;
	s0 =	simm.s32 @!p1 $0x0  }
0x14: {  	s2 =	sld [smem:$0x3F95];
	s0 =	simm.s32 @p1 $0x1  }
0x15: {  	[smem:$0x3FB2] =	sst s0;
	s0 =	simm.s32 @!p2 $0x0  }
0x16: {  	s3 =	sld [smem:$0x3FDB];
	s0 =	simm.s32 @p2 $0x1  }
0x17: {  	s4 =	simm.s32 $0x1BF5;
	[smem:$0x3FB4] =	sst s0  }
0x18: {  	s0 =	sld [smem:$0x3F97];
	_ =	swait.ge [sflag:s4], $0x0  }
0x19: {  	s7 =	sld [smem:$0x3F98]  }
0x1a: {  	s8 =	sadd.s32 $0xFFFFE003, lr  }
0x1b: {  	s9 =	sadd.s32 $0xFFFFFEF7, lr;
	s5 =	simm.s32 $0xFFFFFFFF;
	p2 =	slt.u32 s8, $0xFFFFF086  }
0x1c: {  	p1 =	slt.u32 s9, $0xF7A;
	s5 =	simm.s32 @!p2 $0x0  }
0x1d: {  	s5 =	simm.s32 @p1 $0x1;
	p0 =	seq.s32 s7, s2  }
0x1e: {  	s7 =	smul.u32 @!p0 $0xF7A, s2;
	p2 =	seq.s32 @!p0 s5, $0x0  }
0x1f: {  	s9 =	smul.u32 $0xF7A, s1;
	s8 =	simm.s32 @!p0 $0x1BF5;
	p2 =	por !p2, p0  }
0x20: {  	[sflag:s8] =	ssyncset.s32 @!p0 $0xFFFFF086;
	s6 =	sadd.s32 @!p0 s3, s7;
	s7 =	simm.s32 @!p0 $0x108  }
0x21: {  	s3 =	sadd.s32 s3, s9;
	s6 =	sadd.s32 @!p0 $0x88, s6;
	s7 =	simm.s32 @p2 $0x1082  }
0x22: {  	[simem:s7], [sflag:s8] =	dma.local @!p0 [hbm:s6], $0xF7A  }
0x23: {  	s9 =	sor.u32 $0xD0000000, s2;
	s6 =	simm.s32 $0x108;
	_ =	swait.ge @!p0 [sflag:s8], $0x0  }
0x24: {  	s3 =	sadd.s32 $0x88, s3;
	s6 =	simm.s32 @!p1 $0x1082;
	[sflag:s4] =	ssyncset.s32 $0xFFFFF086  }
0x25: {  	[simem:s6], [sflag:s4] =	dma.local [hbm:s3], $0xF7A  }
0x26: {  	[smem:$0x3F98] =	sst s1;
	(tag) =	ssettag s2;
	_ =	strace s9  }
0x27: {  	s1 =	sld [smem:$0x3FA8]  }
0x28: {  	s2 =	sld [smem:$0x3FA9]  }
0x29: {  	s4 =	sld [smem:$0x3FAB]  }
0x2a: {  	p0 =	seq.s32 s5, $0x0;
	s5 =	sld [smem:$0x3FAC]  }
0x2b: {  	s6 =	sld [smem:$0x3FAD]  }
0x2c: {  	s7 =	sld [smem:$0x3FAE]  }
0x2d: {  	s3 =	simm.s32 $0x108;
	s8 =	sld [smem:$0x3FAF]  }
0x2e: {  	s3 =	simm.s32 @!p0 $0x1082;
	s9 =	sld [smem:$0x3FB0]  }
0x2f: {  	lr =	sadd.s32 s0, s3;
	s0 =	sld [smem:$0x3FA7]  }
0x30: {  	s3 =	sld [smem:$0x3FAA]  }
0x31: {  	[smem:$0x3FB3] =	sst s10  }
0x32: {  	s10 =	sld [smem:$0x3FB1];
	_ =	sdelay $0x3  }
0x33: {  	p0 =	seq.s32 s10, $0x1;
	s10 =	sld [smem:$0x3FB3];
	_ =	sdelay $0x3  }
0x34: {  	[smem:$0x3FB3] =	sst s10  }
0x35: {  	s10 =	sld [smem:$0x3FB2];
	_ =	sdelay $0x3  }
0x36: {  	p1 =	seq.s32 s10, $0x1;
	s10 =	sld [smem:$0x3FB3];
	_ =	sdelay $0x3  }
0x37: {  	[smem:$0x3FB3] =	sst s10  }
0x38: {  	s10 =	sld [smem:$0x3FB4]  }
0x39: {  	_ = 	snop;
	(pc) =	sbr.ind lr, $3  }
0x3a: {  	_ = 	snop  }
0x3b: {  	_ = 	snop  }
0x3c: {  	p2 =	seq.s32 s10, $0x1;
	s10 =	sld [smem:$0x3FB3]  }
0x3d: {  	_ =	shalt  }
0x3e: {  	_ =	shalt  }
0x3f: {  	_ =	shalt  }
0x40: {  	_ =	shalt  }
0x41: {  	_ =	shalt  }
0x42: {  	_ =	shalt  }
0x43: {  	_ =	shalt  }
0x44: {  	_ =	shalt  }
0x45: {  	_ =	shalt  }
0x46: {  	_ =	shalt  }
0x47: {  	_ =	shalt  }
0x48: {  	_ =	shalt  }
0x49: {  	_ =	shalt  }
0x4a: {  	_ =	shalt  }
0x4b: {  	_ =	shalt  }
0x4c: {  	_ =	shalt  }
0x4d: {  	_ =	shalt  }
0x4e: {  	_ =	shalt  }
0x4f: {  	_ =	shalt  }
0x50: {  	_ =	shalt  }
0x51: {  	_ =	shalt  }
0x52: {  	_ =	shalt  }
0x53: {  	_ =	shalt  }
0x54: {  	_ =	shalt  }
0x55: {  	_ =	shalt  }
0x56: {  	_ =	shalt  }
0x57: {  	_ =	shalt  }
0x58: {  	_ =	shalt  }
0x59: {  	_ =	shalt  }
0x5a: {  	_ =	shalt  }
0x5b: {  	_ =	shalt  }
0x5c: {  	_ =	shalt  }
0x5d: {  	_ =	shalt  }
0x5e: {  	_ =	shalt  }
0x5f: {  	_ =	shalt  }
0x60: {  	_ =	shalt  }
0x61: {  	_ =	shalt  }
0x62: {  	_ =	shalt  }
0x63: {  	_ =	shalt  }
0x64: {  	_ =	shalt  }
0x65: {  	_ =	shalt  }
0x66: {  	_ =	shalt  }
0x67: {  	_ =	shalt  }
0x68: {  	_ =	shalt  }
0x69: {  	_ =	shalt  }
0x6a: {  	_ =	shalt  }
0x6b: {  	_ =	shalt  }
0x6c: {  	_ =	shalt  }
0x6d: {  	_ =	shalt  }
0x6e: {  	_ =	shalt  }
0x6f: {  	_ =	shalt  }
0x70: {  	_ =	shalt  }
0x71: {  	_ =	shalt  }
0x72: {  	_ =	shalt  }
0x73: {  	_ =	shalt  }
0x74: {  	_ =	shalt  }
0x75: {  	_ =	shalt  }
0x76: {  	_ =	shalt  }
0x77: {  	_ =	shalt  }
0x78: {  	_ =	shalt  }
0x79: {  	_ =	shalt  }
0x7a: {  	_ =	shalt  }
0x7b: {  	_ =	shalt  }
0x7c: {  	_ =	shalt  }
0x7d: {  	_ =	shalt  }
0x7e: {  	_ =	shalt  }
0x7f: {  	_ =	shalt  }
0x80: {  	_ =	shalt  }
0x81: {  	_ =	shalt  }
0x82: {  	_ =	shalt  }
0x83: {  	_ =	shalt  }
0x84: {  	_ =	shalt  }
0x85: {  	_ =	shalt  }
0x86: {  	_ =	shalt  }
0x87: {  	_ =	shalt  }
.Lfunc_end0:
.L_simem_size_0:
called_computation.1_lowered:
.L_overlay_start_0:
0x88: {  	s2 =	sld [smem:$0x3FD9]  }
0x89: {  	s3 =	sld [smem:$0x3FFE];
	_ =	sdelay $0x1  }
0x8a: {  	s1 =	srdreg.scid  }
0x8b: {  	s0 =	sand.u32 $0x1, s1  }
0x8c: {  	s17 =	sshll.u32 s0, $0xA;
	s2 =	sadd.s32 s3, s2  }
0x8d: {  	s2 =	sadd.s32 s2, s17  }
0x8e: {  	[smem:$0x3FBF] =	sst s2  }
0x8f: {  	_ = 	snop  }
0x90: {  	s2 =	sld [smem:$0x3FC6];
	(tm) =	ssettm $0x1  }
0x91: {  	s18 =	sld [smem:$0x3FFB];
	_ =	sdelay $0x3  }
0x92: {  	_ =	strace s18  }
0x93: {  	s3 =	sld [smem:$0x3FFC];
	_ =	sdelay $0x3  }
0x94: {  	_ =	strace s3  }
0x95: {  	s3 =	sld [smem:$0x3FFD];
	_ =	sdelay $0x3  }
0x96: {  	_ =	strace s3  }
0x97: {  	_ =	strace $0x8FFFFFFF  }
0x98: {  	s19 =	sld [smem:$0x3FDB];
	_ =	sdelay $0x1  }
0x99: {  	s4 =	simm.s32 $_scs_section_size  }
0x9a: {  	s5 =	simm.s32 $_size__tile_overlayer_lowered;
	s6 =	simm.s32 $_tile_overlayer_lowered  }
0x9b: {  	s22 =	simm.s32 $0x1BFF;
	s21 =	sshll.u32 s6, $0x1;
	s3 =	sadd.s32 s4, s19  }
0x9c: {  	s7 =	simm.s32 $0x0;
	s20 =	sshll.u32 s5, $0x1;
	s5 =	sadd.s32 s21, s3  }
0x9d: {  	[timem:s7], [sflag:s22] =	dma.local [hbm:s5], s20  }
0x9e: {  	_ =	swait.ge [sflag:s22], s20  }
0x9f: {  	s4 =	ssub.s32 $0x0, s20;
	[sflag:s22] =	ssyncset.done $0x0  }
0xa0: {  	[sflag:s22] =	ssyncadd.s32 s4;
	_ =	sdelay $0x1  }
0xa1: {  	s23 =	simm.s32 $0x1B8B  }
0xa2: {  	_ =	swait.ge [sflag:s23], $0x1  }
0xa3: {  	[sflag:s23] =	ssyncset.done $0x0  }
0xa4: {  	s25 =	simm.s32 $0x1B8E;
	s24 =	sld [smem:$0x3FFE];
	[sflag:s23] =	ssyncadd.s32 $0xFFFFFFFF  }
0xa5: {  	s26 =	simm.s32 $execute0_lowered;
	[smem:$0x3FD2] =	sst s25  }
0xa6: {  	s5 =	sshll.u32 s26, $0x1;
	_ =	strace $0x80000049;
	[dreg:$0x1] =	wrdreg $0xFFFFFFFF  }
0xa7: {  	s28 =	simm.s32 $_size_execute0_lowered;
	s3 =	sadd.s32 s3, s5;
	[dreg:$0x0] =	wrdreg $0x0  }
0xa8: {  	s5 =	sshll.u32 s28, $0x1;
	[dreg:$0x2] =	wrdreg s3  }
0xa9: {  	[dreg:$0x3] =	wrdreg s5  }
0xaa: {  	[dreg:$0x4] =	wrdreg $0xC0  }
0xab: {  	_ =	task [dreg:s7], $0x5FFFF  }
0xac: {  	[dreg:$0x1] =	wrdreg $0xFFFFFFFF  }
0xad: {  	[dreg:$0x0] =	wrdreg $0x60  }
0xae: {  	[dreg:$0x2] =	wrdreg s24  }
0xaf: {  	[dreg:$0x3] =	wrdreg s2  }
0xb0: {  	[dreg:$0x4] =	wrdreg $0x78800  }
0xb1: {  	[dreg:$0x5] =	wrdreg $0x9  }
0xb2: {  	_ =	task.clear_ibuf [dreg:s7], $0x6FFFF;
	_ =	strace $0x90000049  }
0xb3: {  	s29 =	simm.s32 $0x9;
	_ =	strace $0x8000004B  }
0xb4: {  	_ =	swait.ge [sflag:s29], $0x1  }
0xb5: {  	[sflag:s29] =	ssyncadd.s32 $0xFFFFFFFF  }
0xb6: {  	_ =	strace $0x9000004B  }
0xb7: {  	_ =	sfence  }
0xb8: {  	s30 =	sld [smem:$0x0];
	_ =	sdelay $0x2  }
0xb9: {  	s31 =	sshll.u32 s1, $0xD;
	s1 =	sshrl.u32 s1, $0x2  }
0xba: {  	s3 =	sand.u32 $0x4000, s31;
	s1 =	sadd.s32 s1, s30  }
0xbb: {  	s0 =	sor.u32 s3, s0;
	s1 =	sshll.u32 s1, $0x11  }
0xbc: {  	s0 =	sor.u32 s1, s0  }
0xbd: {  	s0 =	sadd.s32 $0x8F2B, s0  }
0xbe: {  	[sflag:s0] =	ssyncadd.remote.s32 $0x1  }
0xbf: {  	_ =	sfence.sel $0xFFFF  }
0xc0: {  	[dreg:$0x0] =	wrdreg $0xFFFFFFFF;
	(pc) =	sbr.abs _section_cstart, $3  }
0xc1: {  	[dreg:$0x1] =	wrdreg $0xFFFFFFFF  }
0xc2: {  	_ =	task.clear_ibuf [dreg:s7], $0x2FFFF;
	_ =	strace $0x9FFFFFFF  }
0xc3: {  	(tm) =	ssettm $0x7FFFFFFF  }
tec
execute0_lowered:
.L_overlay_start_1:
0x0: {  	(tag) =	ssettag $0x1  }
0x1: {  	s5 =	rddreg [dreg:$0x0]  }
0x2: {  	s15 =	rddreg [dreg:$0x1];
	s1 =	stileid.u32  }
0x3: {  	s2 =	rddreg [dreg:$0x2];
	s4 =	smul.u32 $0x4E200, s1  }
0x4: {  	s0 =	rddreg [dreg:$0x3];
	s25 =	smul.u32 $0x50000, s1  }
0x5: {  	s6 =	srdreg.scid;
	s8 =	smul.u32 $0x14000, s1  }
0x6: {  	s3 =	simm.s32 $0x0;
	s10 =	sand.u32 $0x1, s6;
	s20 =	smul.u32 $0x4E20, s1  }
0x7: {  	[smem:$0x7FF] =	sst s3;
	s12 =	sadd.s32 $0x538600, s5;
	s14 =	smul.u32 $0x140000, s10  }
0x8: {  	_ =	strace $0x8000004A;
	s7 =	ssub.s32 $0x2, s10;
	s19 =	smul.u32 $0x27100, s10  }
0x9: {  	s28 =	smul.u32 $0x2710, s10;
	s13 =	sadd.s32 s4, s5;
	s4 =	sadd.s32 $0x537C00, s5  }
0xa: {  	s26 =	sshrl.u32 s7, $0x1;
	s6 =	sshrl.u32 s25, $0x2;
	s11 =	sadd.s32 $0x5000, s8  }
0xb: {  	s17 =	sadd.s32 $0xA000, s8;
	s18 =	sadd.s32 $0xF000, s8;
	s16 =	ssub.s32 s7, s26  }
0xc: {  	s5 =	sadd.s32 s6, s2;
	s6 =	sadd.s32 s11, s2;
	s9 =	sadd.s32 s8, s14  }
0xd: {  	s7 =	sadd.s32 s17, s2;
	s8 =	sadd.s32 s18, s2;
	s11 =	sadd.s32 s14, s11  }
0xe: {  	s17 =	sadd.s32 s14, s17;
	s14 =	sadd.s32 s14, s18;
	s29 =	sadd.s32 s19, s13  }
0xf: {  	s30 =	sadd.s32 s28, s20;
	s18 =	simm.s32 $0x80;
	s19 =	simm.s32 $0x50  }
0x10: {  	s20 =	simm.s32 $0x0;
	s9 =	sshrl.u32 s9, $0x3;
	s11 =	sshrl.u32 s11, $0x3  }
0x11: {  	s17 =	sshrl.u32 s17, $0x3;
	s14 =	sshrl.u32 s14, $0x3;
	s13 =	smax.u32 s16, $0x1  }
0x12: {  	s31 =	sshrl.u32 s30, $0x3;
	s16 =	simm.s32 $0x2880;
	s9 =	sadd.s32 s12, s9  }
0x13: {  	s10 =	sadd.s32 s12, s11;
	s11 =	sadd.s32 s12, s17;
	s12 =	sadd.s32 s12, s14  }
0x14: {  	s14 =	sadd.s32 $0xEF9C00, s29;
	s15 =	sadd.s32 s31, s15;
	s17 =	simm.s32 $0x1  }
.LBB2_1:
0x15: {  	[tilespmem:s16], [sflag:$0x1] =	stream.linear.gather [hbm4b:s4+s3], $0x5000, $0x38;
	[tilespmem:$0x1B880] =	vst v63  }
0x16: {  	_ =	swait.ge [sflag:s17], $0x5000  }
0x17: {  	[sflag:s17] =	ssyncset.done $0x0  }
0x18: {  	[sflag:s17] =	ssyncadd.s32 $0xFFFFB000  }
0x19: {  	[spmem:s5] =	stream.linear.scatter [tilespmem:s16], [sflag:$0x1], $0x5000, $0x38;
	[tilespmem:$0x1B880] =	vst v63  }
0x1a: {  	_ =	swait.ge [sflag:s17], $0x5000  }
0x1b: {  	[sflag:s17] =	ssyncset.done $0x0  }
0x1c: {  	[sflag:s17] =	ssyncadd.s32 $0xFFFFB000  }
0x1d: {  	[spmem:s6] =	stream.linear.scatter [tilespmem:s16], [sflag:$0x1], $0x5000, $0x38;
	[tilespmem:$0x1B880] =	vst v63  }
0x1e: {  	_ =	swait.ge [sflag:s17], $0x5000  }
0x1f: {  	[sflag:s17] =	ssyncset.done $0x0  }
0x20: {  	[sflag:s17] =	ssyncadd.s32 $0xFFFFB000  }
0x21: {  	[spmem:s7] =	stream.linear.scatter [tilespmem:s16], [sflag:$0x1], $0x5000, $0x38;
	[tilespmem:$0x1B880] =	vst v63  }
0x22: {  	_ =	swait.ge [sflag:s17], $0x5000  }
0x23: {  	[sflag:s17] =	ssyncset.done $0x0  }
0x24: {  	[sflag:s17] =	ssyncadd.s32 $0xFFFFB000  }
0x25: {  	[spmem:s8] =	stream.linear.scatter [tilespmem:s16], [sflag:$0x1], $0x5000, $0x38;
	[tilespmem:$0x1B880] =	vst v63  }
0x26: {  	_ =	swait.ge [sflag:s17], $0x5000  }
0x27: {  	[sflag:s17] =	ssyncset.done $0x0  }
0x28: {  	[sflag:s17] =	ssyncadd.s32 $0xFFFFB000  }
0x29: {  	s21 =	sadd.s32 $0x0, s15;
	[bflag:$0x0] =	sbarrier.arrive $0xFFFF  }
0x2a: {  	[tilespmem:s3], [sflag:$0x1] =	stream.linear.gather [hbm4b:s21+s3], $0x50, $0x38;
	[tilespmem:$0x1B880] =	vst v63  }
0x2b: {  	_ =	swait.ge [sflag:s17], $0x50  }
0x2c: {  	[sflag:s17] =	ssyncset.done $0x0  }
0x2d: {  	[sflag:s17] =	ssyncadd.s32 $0xFFFFFFB0  }
0x2e: {  	[tilespmem:s18], [sflag:$0x1] =	stream.linear.gather [hbm4b:s14+s3], $0x2800, $0x38;
	[tilespmem:$0x1B880] =	vst v63  }
0x2f: {  	_ =	swait.ge [sflag:s17], $0x2800  }
0x30: {  	[sflag:s17] =	ssyncset.done $0x0  }
0x31: {  	[sflag:s17] =	ssyncadd.s32 $0xFFFFD800  }
0x32: {  	[spmem:s2] =	stream.indirect.scatter.add.f32 [tilespmem:s18], [sflag:$0x1], $0x80, s3, s19, $0xb8;
	[tilespmem:$0x1B880] =	vst v63  }
0x33: {  	s22 =	simm.s32 $0xA;
	_ =	swait.ge [sflag:s17], $0x2800  }
0x34: {  	s23 =	simm.s32 $0x14;
	s21 =	sadd.s32 $0x500, s14;
	[sflag:s17] =	ssyncset.done $0x0  }
.LBB2_2:
0x35: {  	s24 =	sadd.s32 s22, s15  }
0x36: {  	[sflag:s17] =	ssyncadd.s32 $0xFFFFD800;
	s22 =	smov.u32 s23;
	s25 =	sadd.s32 $0xA, s23  }
0x37: {  	[tilespmem:s3], [sflag:$0x1] =	stream.linear.gather [hbm4b:s24+s3], $0x50, $0x38;
	[tilespmem:$0x1B880] =	vst v63  }
0x38: {  	p0 =	sne.s32 s23, $0x4D8;
	_ =	swait.ge [sflag:s17], $0x50  }
0x39: {  	[sflag:s17] =	ssyncset.done $0x0  }
0x3a: {  	[sflag:s17] =	ssyncadd.s32 $0xFFFFFFB0  }
0x3b: {  	[tilespmem:s18], [sflag:$0x1] =	stream.linear.gather [hbm4b:s21+s3], $0x2800, $0x38;
	[tilespmem:$0x1B880] =	vst v63  }
0x3c: {  	_ =	swait.ge [sflag:s17], $0x2800  }
.Ltmp0:
0x3d: {  	[sflag:s17] =	ssyncset.done $0x0;
	(pc) =	sbr.rel @p0 .LBB2_2-.Ltmp0, $4  }
0x3e: {  	[sflag:s17] =	ssyncadd.s32 $0xFFFFD800  }
0x3f: {  	[spmem:s2] =	stream.indirect.scatter.add.f32 [tilespmem:s18], [sflag:$0x1], $0x80, s3, s19, $0xb8;
	[tilespmem:$0x1B880] =	vst v63  }
0x40: {  	_ =	swait.ge [sflag:s17], $0x2800  }
0x41: {  	s23 =	smov.u32 s25;
	s21 =	sadd.s32 $0x500, s21;
	[sflag:s17] =	ssyncset.done $0x0  }
0x42: {  	s22 =	sadd.s32 s22, s15;
	[sflag:s17] =	ssyncadd.s32 $0xFFFFD800  }
0x43: {  	[tilespmem:s3], [sflag:$0x1] =	stream.linear.gather [hbm4b:s22+s3], $0x50, $0x38;
	[tilespmem:$0x1B880] =	vst v63  }
0x44: {  	_ =	swait.ge [sflag:s17], $0x50  }
0x45: {  	[sflag:s17] =	ssyncset.done $0x0  }
0x46: {  	[sflag:s17] =	ssyncadd.s32 $0xFFFFFFB0  }
0x47: {  	[tilespmem:s18], [sflag:$0x1] =	stream.linear.gather [hbm4b:s21+s3], $0x2800, $0x38;
	[tilespmem:$0x1B880] =	vst v63  }
0x48: {  	_ =	swait.ge [sflag:s17], $0x2800  }
0x49: {  	[sflag:s17] =	ssyncset.done $0x0  }
0x4a: {  	[sflag:s17] =	ssyncadd.s32 $0xFFFFD800  }
0x4b: {  	[spmem:s2] =	stream.indirect.scatter.add.f32 [tilespmem:s18], [sflag:$0x1], $0x80, s3, s19, $0xb8;
	[tilespmem:$0x1B880] =	vst v63  }
0x4c: {  	_ =	swait.ge [sflag:s17], $0x2800  }
0x4d: {  	[sflag:s17] =	ssyncset.done $0x0  }
0x4e: {  	[sflag:s17] =	ssyncadd.s32 $0xFFFFD800  }
0x4f: {  	[bflag:$0x0] =	sbarrier.arrive $0xFFFF  }
0x50: {  	[tilespmem:s16], [sflag:$0x1] =	stream.linear.gather [spmem:s5], $0x5000, $0x38;
	[tilespmem:$0x1B880] =	vst v63  }
0x51: {  	_ =	swait.ge [sflag:s17], $0x5000  }
0x52: {  	[sflag:s17] =	ssyncset.done $0x0  }
0x53: {  	[sflag:s17] =	ssyncadd.s32 $0xFFFFB000  }
0x54: {  	[hbm4b:s9+s3] =	stream.linear.scatter [tilespmem:s16], [sflag:$0x1], $0x5000, $0x38;
	[tilespmem:$0x1B880] =	vst v63  }
0x55: {  	_ =	swait.ge [sflag:s17], $0x5000  }
0x56: {  	[sflag:s17] =	ssyncset.done $0x0  }
0x57: {  	[sflag:s17] =	ssyncadd.s32 $0xFFFFB000  }
0x58: {  	[tilespmem:s16], [sflag:$0x1] =	stream.linear.gather [spmem:s6], $0x5000, $0x38;
	[tilespmem:$0x1B880] =	vst v63  }
0x59: {  	_ =	swait.ge [sflag:s17], $0x5000  }
0x5a: {  	[sflag:s17] =	ssyncset.done $0x0  }
0x5b: {  	[sflag:s17] =	ssyncadd.s32 $0xFFFFB000  }
0x5c: {  	[hbm4b:s10+s3] =	stream.linear.scatter [tilespmem:s16], [sflag:$0x1], $0x5000, $0x38;
	[tilespmem:$0x1B880] =	vst v63  }
0x5d: {  	_ =	swait.ge [sflag:s17], $0x5000  }
0x5e: {  	[sflag:s17] =	ssyncset.done $0x0  }
0x5f: {  	[sflag:s17] =	ssyncadd.s32 $0xFFFFB000  }
0x60: {  	[tilespmem:s16], [sflag:$0x1] =	stream.linear.gather [spmem:s7], $0x5000, $0x38;
	[tilespmem:$0x1B880] =	vst v63  }
0x61: {  	_ =	swait.ge [sflag:s17], $0x5000  }
0x62: {  	[sflag:s17] =	ssyncset.done $0x0  }
0x63: {  	[sflag:s17] =	ssyncadd.s32 $0xFFFFB000  }
0x64: {  	[hbm4b:s11+s3] =	stream.linear.scatter [tilespmem:s16], [sflag:$0x1], $0x5000, $0x38;
	[tilespmem:$0x1B880] =	vst v63  }
0x65: {  	_ =	swait.ge [sflag:s17], $0x5000  }
0x66: {  	[sflag:s17] =	ssyncset.done $0x0  }
0x67: {  	[sflag:s17] =	ssyncadd.s32 $0xFFFFB000  }
0x68: {  	[tilespmem:s16], [sflag:$0x1] =	stream.linear.gather [spmem:s8], $0x5000, $0x38;
	[tilespmem:$0x1B880] =	vst v63  }
0x69: {  	s20 =	sadd.s32 $0x1, s20;
	_ =	swait.ge [sflag:s17], $0x5000  }
0x6a: {  	p0 =	sne.s32 s20, s13;
	[sflag:s17] =	ssyncset.done $0x0  }
.Ltmp1:
0x6b: {  	[sflag:s17] =	ssyncadd.s32 $0xFFFFB000;
	(pc) =	sbr.rel @p0 .LBB2_1-.Ltmp1, $4  }
0x6c: {  	[hbm4b:s12+s3] =	stream.linear.scatter [tilespmem:s16], [sflag:$0x1], $0x5000, $0x38;
	[tilespmem:$0x1B880] =	vst v63  }
0x6d: {  	_ =	swait.ge [sflag:s17], $0x5000  }
0x6e: {  	[sflag:s17] =	ssyncset.done $0x0  }
0x6f: {  	[sflag:s17] =	ssyncadd.s32 $0xFFFFB000  }
0x70: {  	_ =	sfence.sel $0x180000  }
0x71: {  	[bflag:$0x0] =	sbarrier.arrive $0xFFFF  }
0x72: {  	p0 =	sne.s32 s1, $0x0;
	_ =	strace $0x9000004A  }
0x73: {  	s0 =	sadd.s32 @!p0 $0x100000, s0;
	[bflag:$0x2] =	sbarrier.arrive $0xFFFF  }
0x74: {  	[sflag:s0] =	ssyncadd.tile.s32 @!p0 $0x1;
	_ =	shalt  }
.Lfunc_end2:
_tile_overlayer_lowered:
.L_overlay_start_2:
0x75: {  	(tag) =	ssettag $0x2  }
0x76: {  	s0 =	rddreg [dreg:$0x0];
	s2 =	stileid.u32  }
0x77: {  	s1 =	rddreg [dreg:$0x1];
	p0 =	sne.s32 s2, $0x0  }
0x78: {  	s3 =	rddreg [dreg:$0x2];
	[bflag:$0x3] =	sbarrier.arrive $0xFFFF;
	s2 =	simm.s32 @!p0 $0x1C01  }
0x79: {  	[timem:s3], [sflag:s2] =	dma.local @!p0 [hbm:s0], s1  }
0x7a: {  	s0 =	simm.s32 @!p0 $0x1  }
0x7b: {  	_ =	swait.ge @!p0 [sflag:s0], s1  }
0x7c: {  	s1 =	ssub.s32 @!p0 $0x0, s1;
	[sflag:s0] =	ssyncset.done @!p0 $0x0  }
0x7d: {  	[sflag:s0] =	ssyncadd.s32 @!p0 s1  }
0x7e: {  	[bflag:$0x3] =	sbarrier.arrive $0xFFFF  }
0x7f: {  	_ =	shalt  }

// kernel: kernel.17.cloned.1.call-start
scs
__scs_entry_jumppad:
0x0: {  	(pc) =	sbr.rel $0x88, $3  }
0x1: {  	(tag) =	ssettag $0x0;
	lr =	simm.s32 $0x1  }
0x2: {  	[smem:$0x3F98] =	sst lr;
	_ =	strace $0xD0000000  }
0x3: {  	_ = 	snop  }
0x4: {  	_ = 	snop  }
0x5: {  	_ = 	snop  }
0x6: {  	_ = 	snop  }
0x7: {  	_ = 	snop  }
__scs_overlays_trampoline_lowered:
0x8: {  	[smem:$0x3FA7] =	sst s0  }
0x9: {  	[smem:$0x3FA8] =	sst s1  }
0xa: {  	[smem:$0x3FA9] =	sst s2  }
0xb: {  	[smem:$0x3FAA] =	sst s3  }
0xc: {  	[smem:$0x3FAB] =	sst s4  }
0xd: {  	[smem:$0x3FAC] =	sst s5  }
0xe: {  	[smem:$0x3FAD] =	sst s6  }
0xf: {  	[smem:$0x3FAE] =	sst s7  }
0x10: {  	[smem:$0x3FAF] =	sst s8  }
0x11: {  	[smem:$0x3FB0] =	sst s9;
	s0 =	simm.s32 @!p0 $0x0  }
0x12: {  	s1 =	sld [smem:$0x3F96];
	s0 =	simm.s32 @p0 $0x1  }
0x13: {  	[smem:$0x3FB1] =	sst s0;
	s0 =	simm.s32 @!p1 $0x0  }
0x14: {  	s2 =	sld [smem:$0x3F95];
	s0 =	simm.s32 @p1 $0x1  }
0x15: {  	[smem:$0x3FB2] =	sst s0;
	s0 =	simm.s32 @!p2 $0x0  }
0x16: {  	s3 =	sld [smem:$0x3FDB];
	s0 =	simm.s32 @p2 $0x1  }
0x17: {  	s4 =	simm.s32 $0x1BF5;
	[smem:$0x3FB4] =	sst s0  }
0x18: {  	s0 =	sld [smem:$0x3F97];
	_ =	swait.ge [sflag:s4], $0x0  }
0x19: {  	s7 =	sld [smem:$0x3F98]  }
0x1a: {  	s8 =	sadd.s32 $0xFFFFE003, lr  }
0x1b: {  	s9 =	sadd.s32 $0xFFFFFEF7, lr;
	s5 =	simm.s32 $0xFFFFFFFF;
	p2 =	slt.u32 s8, $0xFFFFF086  }
0x1c: {  	p1 =	slt.u32 s9, $0xF7A;
	s5 =	simm.s32 @!p2 $0x0  }
0x1d: {  	s5 =	simm.s32 @p1 $0x1;
	p0 =	seq.s32 s7, s2  }
0x1e: {  	s7 =	smul.u32 @!p0 $0xF7A, s2;
	p2 =	seq.s32 @!p0 s5, $0x0  }
0x1f: {  	s9 =	smul.u32 $0xF7A, s1;
	s8 =	simm.s32 @!p0 $0x1BF5;
	p2 =	por !p2, p0  }
0x20: {  	[sflag:s8] =	ssyncset.s32 @!p0 $0xFFFFF086;
	s6 =	sadd.s32 @!p0 s3, s7;
	s7 =	simm.s32 @!p0 $0x108  }
0x21: {  	s3 =	sadd.s32 s3, s9;
	s6 =	sadd.s32 @!p0 $0x88, s6;
	s7 =	simm.s32 @p2 $0x1082  }
0x22: {  	[simem:s7], [sflag:s8] =	dma.local @!p0 [hbm:s6], $0xF7A  }
0x23: {  	s9 =	sor.u32 $0xD0000000, s2;
	s6 =	simm.s32 $0x108;
	_ =	swait.ge @!p0 [sflag:s8], $0x0  }
0x24: {  	s3 =	sadd.s32 $0x88, s3;
	s6 =	simm.s32 @!p1 $0x1082;
	[sflag:s4] =	ssyncset.s32 $0xFFFFF086  }
0x25: {  	[simem:s6], [sflag:s4] =	dma.local [hbm:s3], $0xF7A  }
0x26: {  	[smem:$0x3F98] =	sst s1;
	(tag) =	ssettag s2;
	_ =	strace s9  }
0x27: {  	s1 =	sld [smem:$0x3FA8]  }
0x28: {  	s2 =	sld [smem:$0x3FA9]  }
0x29: {  	s4 =	sld [smem:$0x3FAB]  }
0x2a: {  	p0 =	seq.s32 s5, $0x0;
	s5 =	sld [smem:$0x3FAC]  }
0x2b: {  	s6 =	sld [smem:$0x3FAD]  }
0x2c: {  	s7 =	sld [smem:$0x3FAE]  }
0x2d: {  	s3 =	simm.s32 $0x108;
	s8 =	sld [smem:$0x3FAF]  }
0x2e: {  	s3 =	simm.s32 @!p0 $0x1082;
	s9 =	sld [smem:$0x3FB0]  }
0x2f: {  	lr =	sadd.s32 s0, s3;
	s0 =	sld [smem:$0x3FA7]  }
0x30: {  	s3 =	sld [smem:$0x3FAA]  }
0x31: {  	[smem:$0x3FB3] =	sst s10  }
0x32: {  	s10 =	sld [smem:$0x3FB1];
	_ =	sdelay $0x3  }
0x33: {  	p0 =	seq.s32 s10, $0x1;
	s10 =	sld [smem:$0x3FB3];
	_ =	sdelay $0x3  }
0x34: {  	[smem:$0x3FB3] =	sst s10  }
0x35: {  	s10 =	sld [smem:$0x3FB2];
	_ =	sdelay $0x3  }
0x36: {  	p1 =	seq.s32 s10, $0x1;
	s10 =	sld [smem:$0x3FB3];
	_ =	sdelay $0x3  }
0x37: {  	[smem:$0x3FB3] =	sst s10  }
0x38: {  	s10 =	sld [smem:$0x3FB4]  }
0x39: {  	_ = 	snop;
	(pc) =	sbr.ind lr, $3  }
0x3a: {  	_ = 	snop  }
0x3b: {  	_ = 	snop  }
0x3c: {  	p2 =	seq.s32 s10, $0x1;
	s10 =	sld [smem:$0x3FB3]  }
0x3d: {  	_ =	shalt  }
0x3e: {  	_ =	shalt  }
0x3f: {  	_ =	shalt  }
0x40: {  	_ =	shalt  }
0x41: {  	_ =	shalt  }
0x42: {  	_ =	shalt  }
0x43: {  	_ =	shalt  }
0x44: {  	_ =	shalt  }
0x45: {  	_ =	shalt  }
0x46: {  	_ =	shalt  }
0x47: {  	_ =	shalt  }
0x48: {  	_ =	shalt  }
0x49: {  	_ =	shalt  }
0x4a: {  	_ =	shalt  }
0x4b: {  	_ =	shalt  }
0x4c: {  	_ =	shalt  }
0x4d: {  	_ =	shalt  }
0x4e: {  	_ =	shalt  }
0x4f: {  	_ =	shalt  }
0x50: {  	_ =	shalt  }
0x51: {  	_ =	shalt  }
0x52: {  	_ =	shalt  }
0x53: {  	_ =	shalt  }
0x54: {  	_ =	shalt  }
0x55: {  	_ =	shalt  }
0x56: {  	_ =	shalt  }
0x57: {  	_ =	shalt  }
0x58: {  	_ =	shalt  }
0x59: {  	_ =	shalt  }
0x5a: {  	_ =	shalt  }
0x5b: {  	_ =	shalt  }
0x5c: {  	_ =	shalt  }
0x5d: {  	_ =	shalt  }
0x5e: {  	_ =	shalt  }
0x5f: {  	_ =	shalt  }
0x60: {  	_ =	shalt  }
0x61: {  	_ =	shalt  }
0x62: {  	_ =	shalt  }
0x63: {  	_ =	shalt  }
0x64: {  	_ =	shalt  }
0x65: {  	_ =	shalt  }
0x66: {  	_ =	shalt  }
0x67: {  	_ =	shalt  }
0x68: {  	_ =	shalt  }
0x69: {  	_ =	shalt  }
0x6a: {  	_ =	shalt  }
0x6b: {  	_ =	shalt  }
0x6c: {  	_ =	shalt  }
0x6d: {  	_ =	shalt  }
0x6e: {  	_ =	shalt  }
0x6f: {  	_ =	shalt  }
0x70: {  	_ =	shalt  }
0x71: {  	_ =	shalt  }
0x72: {  	_ =	shalt  }
0x73: {  	_ =	shalt  }
0x74: {  	_ =	shalt  }
0x75: {  	_ =	shalt  }
0x76: {  	_ =	shalt  }
0x77: {  	_ =	shalt  }
0x78: {  	_ =	shalt  }
0x79: {  	_ =	shalt  }
0x7a: {  	_ =	shalt  }
0x7b: {  	_ =	shalt  }
0x7c: {  	_ =	shalt  }
0x7d: {  	_ =	shalt  }
0x7e: {  	_ =	shalt  }
0x7f: {  	_ =	shalt  }
0x80: {  	_ =	shalt  }
0x81: {  	_ =	shalt  }
0x82: {  	_ =	shalt  }
0x83: {  	_ =	shalt  }
0x84: {  	_ =	shalt  }
0x85: {  	_ =	shalt  }
0x86: {  	_ =	shalt  }
0x87: {  	_ =	shalt  }
.Lfunc_end0:
.L_simem_size_0:
called_computation.2_lowered:
.L_overlay_start_0:
0x88: {  	s2 =	sld [smem:$0x3FD9]  }
0x89: {  	s3 =	sld [smem:$0x3FFE];
	_ =	sdelay $0x1  }
0x8a: {  	s1 =	srdreg.scid  }
0x8b: {  	s0 =	sand.u32 $0x1, s1  }
0x8c: {  	s17 =	sshll.u32 s0, $0xA;
	s2 =	sadd.s32 s3, s2  }
0x8d: {  	s2 =	sadd.s32 s2, s17  }
0x8e: {  	[smem:$0x3FBF] =	sst s2  }
0x8f: {  	_ = 	snop  }
0x90: {  	s2 =	sld [smem:$0x3FC7];
	(tm) =	ssettm $0x1  }
0x91: {  	s18 =	sld [smem:$0x3FFB];
	_ =	sdelay $0x3  }
0x92: {  	_ =	strace s18  }
0x93: {  	s3 =	sld [smem:$0x3FFC];
	_ =	sdelay $0x3  }
0x94: {  	_ =	strace s3  }
0x95: {  	s3 =	sld [smem:$0x3FFD];
	_ =	sdelay $0x3  }
0x96: {  	_ =	strace s3  }
0x97: {  	_ =	strace $0x8FFFFFFF  }
0x98: {  	s19 =	sld [smem:$0x3FDB];
	_ =	sdelay $0x1  }
0x99: {  	s4 =	simm.s32 $_scs_section_size  }
0x9a: {  	s5 =	simm.s32 $_size__tile_overlayer_lowered;
	s6 =	simm.s32 $_tile_overlayer_lowered  }
0x9b: {  	s22 =	simm.s32 $0x1BFF;
	s21 =	sshll.u32 s6, $0x1;
	s3 =	sadd.s32 s4, s19  }
0x9c: {  	s7 =	simm.s32 $0x0;
	s20 =	sshll.u32 s5, $0x1;
	s5 =	sadd.s32 s21, s3  }
0x9d: {  	[timem:s7], [sflag:s22] =	dma.local [hbm:s5], s20  }
0x9e: {  	_ =	swait.ge [sflag:s22], s20  }
0x9f: {  	s4 =	ssub.s32 $0x0, s20;
	[sflag:s22] =	ssyncset.done $0x0  }
0xa0: {  	[sflag:s22] =	ssyncadd.s32 s4;
	_ =	sdelay $0x1  }
0xa1: {  	s23 =	simm.s32 $0x1B8B  }
0xa2: {  	_ =	swait.ge [sflag:s23], $0x1  }
0xa3: {  	[sflag:s23] =	ssyncset.done $0x0  }
0xa4: {  	s25 =	simm.s32 $0x1B8E;
	s24 =	sld [smem:$0x3FFE];
	[sflag:s23] =	ssyncadd.s32 $0xFFFFFFFF  }
0xa5: {  	s26 =	simm.s32 $execute0_lowered;
	[smem:$0x3FD2] =	sst s25  }
0xa6: {  	s5 =	sshll.u32 s26, $0x1;
	_ =	strace $0x8000004C;
	[dreg:$0x1] =	wrdreg $0xFFFFFFFF  }
0xa7: {  	s28 =	simm.s32 $_size_execute0_lowered;
	s3 =	sadd.s32 s3, s5;
	[dreg:$0x0] =	wrdreg $0x0  }
0xa8: {  	s5 =	sshll.u32 s28, $0x1;
	[dreg:$0x2] =	wrdreg s3  }
0xa9: {  	[dreg:$0x3] =	wrdreg s5  }
0xaa: {  	[dreg:$0x4] =	wrdreg $0xC0  }
0xab: {  	_ =	task [dreg:s7], $0x5FFFF  }
0xac: {  	[dreg:$0x1] =	wrdreg $0xFFFFFFFF  }
0xad: {  	[dreg:$0x0] =	wrdreg $0x60  }
0xae: {  	[dreg:$0x2] =	wrdreg s24  }
0xaf: {  	[dreg:$0x3] =	wrdreg s2  }
0xb0: {  	[dreg:$0x4] =	wrdreg $0x9  }
0xb1: {  	_ =	task.clear_ibuf [dreg:s7], $0x5FFFF;
	_ =	strace $0x9000004C  }
0xb2: {  	s29 =	simm.s32 $0x9;
	_ =	strace $0x8000004E  }
0xb3: {  	_ =	swait.ge [sflag:s29], $0x1  }
0xb4: {  	[sflag:s29] =	ssyncadd.s32 $0xFFFFFFFF  }
0xb5: {  	_ =	strace $0x9000004E  }
0xb6: {  	_ =	sfence  }
0xb7: {  	s30 =	sld [smem:$0x0];
	_ =	sdelay $0x2  }
0xb8: {  	s31 =	sshll.u32 s1, $0xD;
	s1 =	sshrl.u32 s1, $0x2  }
0xb9: {  	s3 =	sand.u32 $0x4000, s31;
	s1 =	sadd.s32 s1, s30  }
0xba: {  	s0 =	sor.u32 s3, s0;
	s1 =	sshll.u32 s1, $0x11  }
0xbb: {  	s0 =	sor.u32 s1, s0  }
0xbc: {  	s0 =	sadd.s32 $0x8F2B, s0  }
0xbd: {  	[sflag:s0] =	ssyncadd.remote.s32 $0x1  }
0xbe: {  	_ =	sfence.sel $0xFFFF  }
0xbf: {  	[dreg:$0x0] =	wrdreg $0xFFFFFFFF;
	(pc) =	sbr.abs _section_cstart, $3  }
0xc0: {  	[dreg:$0x1] =	wrdreg $0xFFFFFFFF  }
0xc1: {  	_ =	task.clear_ibuf [dreg:s7], $0x2FFFF;
	_ =	strace $0x9FFFFFFF  }
0xc2: {  	(tm) =	ssettm $0x7FFFFFFF  }
0xc3: {  	_ =	shalt  }
tec
execute0_lowered:
.L_overlay_start_1:
0x0: {  	(tag) =	ssettag $0x1  }
0x1: {  	s4 =	rddreg [dreg:$0x0]  }
0x2: {  	s0 =	stileid.u32;
	s1 =	srdreg.scid  }
0x3: {  	s6 =	rddreg [dreg:$0x1];
	s5 =	smul.u32 $0x4E200, s0  }
0x4: {  	s2 =	simm.s32 $0x0;
	s3 =	sand.u32 $0x1, s1;
	s8 =	smul.u32 $0x4E20, s0  }
0x5: {  	s11 =	simm.s32 $0x0;
	s1 =	rddreg [dreg:$0x2];
	s7 =	smul.u32 $0x27100, s3  }
0x6: {  	[smem:$0x7FF] =	sst s2;
	s9 =	ssub.s32 $0x2, s3;
	s10 =	smul.u32 $0x2710, s3  }
0x7: {  	s3 =	sadd.s32 $0x538600, s4;
	s4 =	sadd.s32 s5, s4;
	s30 =	sshrl.u32 s9, $0x1  }
0x8: {  	_ =	strace $0x8000004D;
	s5 =	ssub.s32 s9, s30;
	s7 =	sadd.s32 s7, s4  }
0x9: {  	s8 =	sadd.s32 s10, s8;
	s9 =	simm.s32 $0x80;
	s10 =	simm.s32 $0x1  }
0xa: {  	s4 =	smax.u32 s5, $0x1;
	s5 =	sadd.s32 $0x2BC00, s7;
	s31 =	sshrl.u32 s8, $0x3  }
0xb: {  	s7 =	simm.s32 $0x2;
	s8 =	simm.s32 $0x50;
	s6 =	sadd.s32 s31, s6  }
.LBB2_1:
0xc: {  	s12 =	sadd.s32 $0x0, s6  }
0xd: {  	[tilespmem:s2], [sflag:$0x2] =	stream.linear.gather [hbm4b:s12+s2], $0x50, $0x38;
	[tilespmem:$0x2880] =	vst v63  }
0xe: {  	_ =	swait.ge [sflag:s7], $0x50  }
0xf: {  	[sflag:s7] =	ssyncset.done $0x0  }
0x10: {  	[sflag:s7] =	ssyncadd.s32 $0xFFFFFFB0  }
0x11: {  	[tilespmem:s9], [sflag:$0x1] =	stream.indirect.gather [hbm4b:s3+s8], $0x80, s2, s8, $0xb8;
	[tilespmem:$0x2880] =	vst v63  }
0x12: {  	_ =	swait.ge [sflag:s10], $0x2800  }
0x13: {  	[sflag:s10] =	ssyncset.done $0x0  }
0x14: {  	[sflag:s10] =	ssyncadd.s32 $0xFFFFD800  }
0x15: {  	[hbm4b:s5+s2] =	stream.linear.scatter [tilespmem:s9], [sflag:$0x2], $0x2800, $0x38;
	[tilespmem:$0x2880] =	vst v63  }
0x16: {  	s13 =	simm.s32 $0xA;
	_ =	swait.ge [sflag:s7], $0x2800  }
0x17: {  	s14 =	simm.s32 $0x14;
	s12 =	sadd.s32 $0x500, s5;
	[sflag:s7] =	ssyncset.done $0x0  }
.LBB2_2:
0x18: {  	s15 =	sadd.s32 s13, s6  }
0x19: {  	[sflag:s7] =	ssyncadd.s32 $0xFFFFD800;
	s13 =	smov.u32 s14;
	s16 =	sadd.s32 $0xA, s14  }
0x1a: {  	[tilespmem:s2], [sflag:$0x2] =	stream.linear.gather [hbm4b:s15+s2], $0x50, $0x38;
	[tilespmem:$0x2880] =	vst v63  }
0x1b: {  	p0 =	sne.s32 s14, $0x4D8;
	_ =	swait.ge [sflag:s7], $0x50  }
0x1c: {  	[sflag:s7] =	ssyncset.done $0x0  }
0x1d: {  	[sflag:s7] =	ssyncadd.s32 $0xFFFFFFB0  }
0x1e: {  	[tilespmem:s9], [sflag:$0x1] =	stream.indirect.gather [hbm4b:s3+s8], $0x80, s2, s8, $0xb8;
	[tilespmem:$0x2880] =	vst v63  }
0x1f: {  	_ =	swait.ge [sflag:s10], $0x2800  }
.Ltmp0:
0x20: {  	[sflag:s10] =	ssyncset.done $0x0;
	(pc) =	sbr.rel @p0 .LBB2_2-.Ltmp0, $4  }
0x21: {  	[sflag:s10] =	ssyncadd.s32 $0xFFFFD800  }
0x22: {  	[hbm4b:s12+s2] =	stream.linear.scatter [tilespmem:s9], [sflag:$0x2], $0x2800, $0x38;
	[tilespmem:$0x2880] =	vst v63  }
0x23: {  	_ =	swait.ge [sflag:s7], $0x2800  }
0x24: {  	s14 =	smov.u32 s16;
	s12 =	sadd.s32 $0x500, s12;
	[sflag:s7] =	ssyncset.done $0x0  }
0x25: {  	s13 =	sadd.s32 s13, s6;
	[sflag:s7] =	ssyncadd.s32 $0xFFFFD800  }
0x26: {  	[tilespmem:s2], [sflag:$0x2] =	stream.linear.gather [hbm4b:s13+s2], $0x50, $0x38;
	[tilespmem:$0x2880] =	vst v63  }
0x27: {  	_ =	swait.ge [sflag:s7], $0x50  }
0x28: {  	[sflag:s7] =	ssyncset.done $0x0  }
0x29: {  	[sflag:s7] =	ssyncadd.s32 $0xFFFFFFB0  }
0x2a: {  	[tilespmem:s9], [sflag:$0x1] =	stream.indirect.gather [hbm4b:s3+s8], $0x80, s2, s8, $0xb8;
	[tilespmem:$0x2880] =	vst v63  }
0x2b: {  	s11 =	sadd.s32 $0x1, s11;
	_ =	swait.ge [sflag:s10], $0x2800  }
0x2c: {  	p0 =	sne.s32 s11, s4;
	[sflag:s10] =	ssyncset.done $0x0  }
.Ltmp1:
0x2d: {  	[sflag:s10] =	ssyncadd.s32 $0xFFFFD800;
	(pc) =	sbr.rel @p0 .LBB2_1-.Ltmp1, $4  }
0x2e: {  	[hbm4b:s12+s2] =	stream.linear.scatter [tilespmem:s9], [sflag:$0x2], $0x2800, $0x38;
	[tilespmem:$0x2880] =	vst v63  }
0x2f: {  	_ =	swait.ge [sflag:s7], $0x2800  }
0x30: {  	[sflag:s7] =	ssyncset.done $0x0  }
0x31: {  	[sflag:s7] =	ssyncadd.s32 $0xFFFFD800  }
0x32: {  	_ =	sfence.sel $0x180000  }
0x33: {  	[bflag:$0x0] =	sbarrier.arrive $0xFFFF  }
0x34: {  	p0 =	sne.s32 s0, $0x0;
	_ =	strace $0x9000004D  }
0x35: {  	s0 =	sadd.s32 @!p0 $0x100000, s1;
	[bflag:$0x2] =	sbarrier.arrive $0xFFFF  }
0x36: {  	[sflag:s0] =	ssyncadd.tile.s32 @!p0 $0x1;
	_ =	shalt  }
.Lfunc_end2:
_tile_overlayer_lowered:
.L_overlay_start_2:
0x37: {  	(tag) =	ssettag $0x2  }
0x38: {  	s0 =	rddreg [dreg:$0x0];
	s2 =	stileid.u32  }
0x39: {  	s1 =	rddreg [dreg:$0x1];
	p0 =	sne.s32 s2, $0x0  }
0x3a: {  	s3 =	rddreg [dreg:$0x2];
	[bflag:$0x3] =	sbarrier.arrive $0xFFFF;
	s2 =	simm.s32 @!p0 $0x1C02  }
0x3b: {  	[timem:s3], [sflag:s2] =	dma.local @!p0 [hbm:s0], s1  }
0x3c: {  	s0 =	simm.s32 @!p0 $0x2  }
0x3d: {  	_ =	swait.ge @!p0 [sflag:s0], s1  }
0x3e: {  	s1 =	ssub.s32 @!p0 $0x0, s1;
	[sflag:s0] =	ssyncset.done @!p0 $0x0  }
0x3f: {  	[sflag:s0] =	ssyncadd.s32 @!p0 s1  }
0x40: {  	[bflag:$0x3] =	sbarrier.arrive $0xFFFF  }
0x41: {  	_ =	shalt  }

// kernel: kernel.20.cloned.1.call-start
scs
__scs_entry_jumppad:
0x0: {  	(pc) =	sbr.rel $0x88, $3  }
0x1: {  	(tag) =	ssettag $0x0;
	lr =	simm.s32 $0x1  }
0x2: {  	[smem:$0x3F98] =	sst lr;
	_ =	strace $0xD0000000  }
0x3: {  	_ = 	snop  }
0x4: {  	_ = 	snop  }
0x5: {  	_ = 	snop  }
0x6: {  	_ = 	snop  }
0x7: {  	_ = 	snop  }
__scs_overlays_trampoline_lowered:
0x8: {  	[smem:$0x3FA7] =	sst s0  }
0x9: {  	[smem:$0x3FA8] =	sst s1  }
0xa: {  	[smem:$0x3FA9] =	sst s2  }
0xb: {  	[smem:$0x3FAA] =	sst s3  }
0xc: {  	[smem:$0x3FAB] =	sst s4  }
0xd: {  	[smem:$0x3FAC] =	sst s5  }
0xe: {  	[smem:$0x3FAD] =	sst s6  }
0xf: {  	[smem:$0x3FAE] =	sst s7  }
0x10: {  	[smem:$0x3FAF] =	sst s8  }
0x11: {  	[smem:$0x3FB0] =	sst s9;
	s0 =	simm.s32 @!p0 $0x0  }
0x12: {  	s1 =	sld [smem:$0x3F96];
	s0 =	simm.s32 @p0 $0x1  }
0x13: {  	[smem:$0x3FB1] =	sst s0;
	s0 =	simm.s32 @!p1 $0x0  }
0x14: {  	s2 =	sld [smem:$0x3F95];
	s0 =	simm.s32 @p1 $0x1  }
0x15: {  	[smem:$0x3FB2] =	sst s0;
	s0 =	simm.s32 @!p2 $0x0  }
0x16: {  	s3 =	sld [smem:$0x3FDB];
	s0 =	simm.s32 @p2 $0x1  }
0x17: {  	s4 =	simm.s32 $0x1BF5;
	[smem:$0x3FB4] =	sst s0  }
0x18: {  	s0 =	sld [smem:$0x3F97];
	_ =	swait.ge [sflag:s4], $0x0  }
0x19: {  	s7 =	sld [smem:$0x3F98]  }
0x1a: {  	s8 =	sadd.s32 $0xFFFFE003, lr  }
0x1b: {  	s9 =	sadd.s32 $0xFFFFFEF7, lr;
	s5 =	simm.s32 $0xFFFFFFFF;
	p2 =	slt.u32 s8, $0xFFFFF086  }
0x1c: {  	p1 =	slt.u32 s9, $0xF7A;
	s5 =	simm.s32 @!p2 $0x0  }
0x1d: {  	s5 =	simm.s32 @p1 $0x1;
	p0 =	seq.s32 s7, s2  }
0x1e: {  	s7 =	smul.u32 @!p0 $0xF7A, s2;
	p2 =	seq.s32 @!p0 s5, $0x0  }
0x1f: {  	s9 =	smul.u32 $0xF7A, s1;
	s8 =	simm.s32 @!p0 $0x1BF5;
	p2 =	por !p2, p0  }
0x20: {  	[sflag:s8] =	ssyncset.s32 @!p0 $0xFFFFF086;
	s6 =	sadd.s32 @!p0 s3, s7;
	s7 =	simm.s32 @!p0 $0x108  }
0x21: {  	s3 =	sadd.s32 s3, s9;
	s6 =	sadd.s32 @!p0 $0x88, s6;
	s7 =	simm.s32 @p2 $0x1082  }
0x22: {  	[simem:s7], [sflag:s8] =	dma.local @!p0 [hbm:s6], $0xF7A  }
0x23: {  	s9 =	sor.u32 $0xD0000000, s2;
	s6 =	simm.s32 $0x108;
	_ =	swait.ge @!p0 [sflag:s8], $0x0  }
0x24: {  	s3 =	sadd.s32 $0x88, s3;
	s6 =	simm.s32 @!p1 $0x1082;
	[sflag:s4] =	ssyncset.s32 $0xFFFFF086  }
0x25: {  	[simem:s6], [sflag:s4] =	dma.local [hbm:s3], $0xF7A  }
0x26: {  	[smem:$0x3F98] =	sst s1;
	(tag) =	ssettag s2;
	_ =	strace s9  }
0x27: {  	s1 =	sld [smem:$0x3FA8]  }
0x28: {  	s2 =	sld [smem:$0x3FA9]  }
0x29: {  	s4 =	sld [smem:$0x3FAB]  }
0x2a: {  	p0 =	seq.s32 s5, $0x0;
	s5 =	sld [smem:$0x3FAC]  }
0x2b: {  	s6 =	sld [smem:$0x3FAD]  }
0x2c: {  	s7 =	sld [smem:$0x3FAE]  }
0x2d: {  	s3 =	simm.s32 $0x108;
	s8 =	sld [smem:$0x3FAF]  }
0x2e: {  	s3 =	simm.s32 @!p0 $0x1082;
	s9 =	sld [smem:$0x3FB0]  }
0x2f: {  	lr =	sadd.s32 s0, s3;
	s0 =	sld [smem:$0x3FA7]  }
0x30: {  	s3 =	sld [smem:$0x3FAA]  }
0x31: {  	[smem:$0x3FB3] =	sst s10  }
0x32: {  	s10 =	sld [smem:$0x3FB1];
	_ =	sdelay $0x3  }
0x33: {  	p0 =	seq.s32 s10, $0x1;
	s10 =	sld [smem:$0x3FB3];
	_ =	sdelay $0x3  }
0x34: {  	[smem:$0x3FB3] =	sst s10  }
0x35: {  	s10 =	sld [smem:$0x3FB2];
	_ =	sdelay $0x3  }
0x36: {  	p1 =	seq.s32 s10, $0x1;
	s10 =	sld [smem:$0x3FB3];
	_ =	sdelay $0x3  }
0x37: {  	[smem:$0x3FB3] =	sst s10  }
0x38: {  	s10 =	sld [smem:$0x3FB4]  }
0x39: {  	_ = 	snop;
	(pc) =	sbr.ind lr, $3  }
0x3a: {  	_ = 	snop  }
0x3b: {  	_ = 	snop  }
0x3c: {  	p2 =	seq.s32 s10, $0x1;
	s10 =	sld [smem:$0x3FB3]  }
0x3d: {  	_ =	shalt  }
0x3e: {  	_ =	shalt  }
0x3f: {  	_ =	shalt  }
0x40: {  	_ =	shalt  }
0x41: {  	_ =	shalt  }
0x42: {  	_ =	shalt  }
0x43: {  	_ =	shalt  }
0x44: {  	_ =	shalt  }
0x45: {  	_ =	shalt  }
0x46: {  	_ =	shalt  }
0x47: {  	_ =	shalt  }
0x48: {  	_ =	shalt  }
0x49: {  	_ =	shalt  }
0x4a: {  	_ =	shalt  }
0x4b: {  	_ =	shalt  }
0x4c: {  	_ =	shalt  }
0x4d: {  	_ =	shalt  }
0x4e: {  	_ =	shalt  }
0x4f: {  	_ =	shalt  }
0x50: {  	_ =	shalt  }
0x51: {  	_ =	shalt  }
0x52: {  	_ =	shalt  }
0x53: {  	_ =	shalt  }
0x54: {  	_ =	shalt  }
0x55: {  	_ =	shalt  }
0x56: {  	_ =	shalt  }
0x57: {  	_ =	shalt  }
0x58: {  	_ =	shalt  }
0x59: {  	_ =	shalt  }
0x5a: {  	_ =	shalt  }
0x5b: {  	_ =	shalt  }
0x5c: {  	_ =	shalt  }
0x5d: {  	_ =	shalt  }
0x5e: {  	_ =	shalt  }
0x5f: {  	_ =	shalt  }
0x60: {  	_ =	shalt  }
0x61: {  	_ =	shalt  }
0x62: {  	_ =	shalt  }
0x63: {  	_ =	shalt  }
0x64: {  	_ =	shalt  }
0x65: {  	_ =	shalt  }
0x66: {  	_ =	shalt  }
0x67: {  	_ =	shalt  }
0x68: {  	_ =	shalt  }
0x69: {  	_ =	shalt  }
0x6a: {  	_ =	shalt  }
0x6b: {  	_ =	shalt  }
0x6c: {  	_ =	shalt  }
0x6d: {  	_ =	shalt  }
0x6e: {  	_ =	shalt  }
0x6f: {  	_ =	shalt  }
0x70: {  	_ =	shalt  }
0x71: {  	_ =	shalt  }
0x72: {  	_ =	shalt  }
0x73: {  	_ =	shalt  }
0x74: {  	_ =	shalt  }
0x75: {  	_ =	shalt  }
0x76: {  	_ =	shalt  }
0x77: {  	_ =	shalt  }
0x78: {  	_ =	shalt  }
0x79: {  	_ =	shalt  }
0x7a: {  	_ =	shalt  }
0x7b: {  	_ =	shalt  }
0x7c: {  	_ =	shalt  }
0x7d: {  	_ =	shalt  }
0x7e: {  	_ =	shalt  }
0x7f: {  	_ =	shalt  }
0x80: {  	_ =	shalt  }
0x81: {  	_ =	shalt  }
0x82: {  	_ =	shalt  }
0x83: {  	_ =	shalt  }
0x84: {  	_ =	shalt  }
0x85: {  	_ =	shalt  }
0x86: {  	_ =	shalt  }
0x87: {  	_ =	shalt  }
.Lfunc_end0:
.L_simem_size_0:
called_computation.3_lowered:
.L_overlay_start_0:
0x88: {  	s2 =	sld [smem:$0x3FD9]  }
0x89: {  	s3 =	sld [smem:$0x3FFE];
	_ =	sdelay $0x1  }
0x8a: {  	s1 =	srdreg.scid  }
0x8b: {  	s0 =	sand.u32 $0x1, s1  }
0x8c: {  	s17 =	sshll.u32 s0, $0xA;
	s2 =	sadd.s32 s3, s2  }
0x8d: {  	s2 =	sadd.s32 s2, s17  }
0x8e: {  	[smem:$0x3FBF] =	sst s2  }
0x8f: {  	_ = 	snop  }
0x90: {  	s2 =	sld [smem:$0x3FC6];
	(tm) =	ssettm $0x1  }
0x91: {  	s18 =	sld [smem:$0x3FFB];
	_ =	sdelay $0x3  }
0x92: {  	_ =	strace s18  }
0x93: {  	s3 =	sld [smem:$0x3FFC];
	_ =	sdelay $0x3  }
0x94: {  	_ =	strace s3  }
0x95: {  	s3 =	sld [smem:$0x3FFD];
	_ =	sdelay $0x3  }
0x96: {  	_ =	strace s3  }
0x97: {  	_ =	strace $0x8FFFFFFF  }
0x98: {  	s19 =	sld [smem:$0x3FDB];
	_ =	sdelay $0x1  }
0x99: {  	s4 =	simm.s32 $_scs_section_size  }
0x9a: {  	s5 =	simm.s32 $_size__tile_overlayer_lowered;
	s6 =	simm.s32 $_tile_overlayer_lowered  }
0x9b: {  	s22 =	simm.s32 $0x1BFF;
	s21 =	sshll.u32 s6, $0x1;
	s3 =	sadd.s32 s4, s19  }
0x9c: {  	s7 =	simm.s32 $0x0;
	s20 =	sshll.u32 s5, $0x1;
	s5 =	sadd.s32 s21, s3  }
0x9d: {  	[timem:s7], [sflag:s22] =	dma.local [hbm:s5], s20  }
0x9e: {  	_ =	swait.ge [sflag:s22], s20  }
0x9f: {  	s4 =	ssub.s32 $0x0, s20;
	[sflag:s22] =	ssyncset.done $0x0  }
0xa0: {  	[sflag:s22] =	ssyncadd.s32 s4;
	_ =	sdelay $0x1  }
0xa1: {  	s23 =	simm.s32 $0x1B8B  }
0xa2: {  	_ =	swait.ge [sflag:s23], $0x1  }
0xa3: {  	[sflag:s23] =	ssyncset.done $0x0  }
0xa4: {  	s25 =	simm.s32 $0x1B8E;
	s24 =	sld [smem:$0x3FFE];
	[sflag:s23] =	ssyncadd.s32 $0xFFFFFFFF  }
0xa5: {  	s26 =	simm.s32 $execute0_lowered;
	[smem:$0x3FD2] =	sst s25  }
0xa6: {  	s5 =	sshll.u32 s26, $0x1;
	_ =	strace $0x8000004F;
	[dreg:$0x1] =	wrdreg $0xFFFFFFFF  }
0xa7: {  	s28 =	simm.s32 $_size_execute0_lowered;
	s3 =	sadd.s32 s3, s5;
	[dreg:$0x0] =	wrdreg $0x0  }
0xa8: {  	s5 =	sshll.u32 s28, $0x1;
	[dreg:$0x2] =	wrdreg s3  }
0xa9: {  	[dreg:$0x3] =	wrdreg s5  }
0xaa: {  	[dreg:$0x4] =	wrdreg $0xC0  }
0xab: {  	_ =	task [dreg:s7], $0x5FFFF  }
0xac: {  	[dreg:$0x1] =	wrdreg $0xFFFFFFFF  }
0xad: {  	[dreg:$0x0] =	wrdreg $0x60  }
0xae: {  	[dreg:$0x2] =	wrdreg s24  }
0xaf: {  	[dreg:$0x3] =	wrdreg s2  }
0xb0: {  	[dreg:$0x4] =	wrdreg $0x78800  }
0xb1: {  	[dreg:$0x5] =	wrdreg $0x9  }
0xb2: {  	_ =	task.clear_ibuf [dreg:s7], $0x6FFFF;
	_ =	strace $0x9000004F  }
0xb3: {  	s29 =	simm.s32 $0x9;
	_ =	strace $0x80000051  }
0xb4: {  	_ =	swait.ge [sflag:s29], $0x1  }
0xb5: {  	[sflag:s29] =	ssyncadd.s32 $0xFFFFFFFF  }
0xb6: {  	_ =	strace $0x90000051  }
0xb7: {  	_ =	sfence  }
0xb8: {  	s30 =	sld [smem:$0x0];
	_ =	sdelay $0x2  }
0xb9: {  	s31 =	sshll.u32 s1, $0xD;
	s1 =	sshrl.u32 s1, $0x2  }
0xba: {  	s3 =	sand.u32 $0x4000, s31;
	s1 =	sadd.s32 s1, s30  }
0xbb: {  	s0 =	sor.u32 s3, s0;
	s1 =	sshll.u32 s1, $0x11  }
0xbc: {  	s0 =	sor.u32 s1, s0  }
0xbd: {  	s0 =	sadd.s32 $0x8F2B, s0  }
0xbe: {  	[sflag:s0] =	ssyncadd.remote.s32 $0x1  }
0xbf: {  	_ =	sfence.sel $0xFFFF  }
0xc0: {  	[dreg:$0x0] =	wrdreg $0xFFFFFFFF;
	(pc) =	sbr.abs _section_cstart, $3  }
0xc1: {  	[dreg:$0x1] =	wrdreg $0xFFFFFFFF  }
0xc2: {  	_ =	task.clear_ibuf [dreg:s7], $0x2FFFF;
	_ =	strace $0x9FFFFFFF  }
0xc3: {  	(tm) =	ssettm $0x7FFFFFFF  }
tec
execute0_lowered:
.L_overlay_start_1:
0x0: {  	(tag) =	ssettag $0x1  }
0x1: {  	s5 =	rddreg [dreg:$0x0]  }
0x2: {  	s15 =	rddreg [dreg:$0x1];
	s1 =	stileid.u32  }
0x3: {  	s2 =	rddreg [dreg:$0x2];
	s4 =	smul.u32 $0x4E200, s1  }
0x4: {  	s0 =	rddreg [dreg:$0x3];
	s25 =	smul.u32 $0x50000, s1  }
0x5: {  	s6 =	srdreg.scid;
	s8 =	smul.u32 $0x14000, s1  }
0x6: {  	s3 =	simm.s32 $0x0;
	s10 =	sand.u32 $0x1, s6;
	s20 =	smul.u32 $0x4E20, s1  }
0x7: {  	[smem:$0x7FF] =	sst s3;
	s12 =	sadd.s32 $0x2BC00, s5;
	s14 =	smul.u32 $0x140000, s10  }
0x8: {  	_ =	strace $0x80000050;
	s7 =	ssub.s32 $0x2, s10;
	s19 =	smul.u32 $0x27100, s10  }
0x9: {  	s28 =	smul.u32 $0x2710, s10;
	s13 =	sadd.s32 s4, s5;
	s4 =	sadd.s32 $0x537C00, s5  }
0xa: {  	s26 =	sshrl.u32 s7, $0x1;
	s6 =	sshrl.u32 s25, $0x2;
	s11 =	sadd.s32 $0x5000, s8  }
0xb: {  	s17 =	sadd.s32 $0xA000, s8;
	s18 =	sadd.s32 $0xF000, s8;
	s16 =	ssub.s32 s7, s26  }
0xc: {  	s5 =	sadd.s32 s6, s2;
	s6 =	sadd.s32 s11, s2;
	s9 =	sadd.s32 s8, s14  }
0xd: {  	s7 =	sadd.s32 s17, s2;
	s8 =	sadd.s32 s18, s2;
	s11 =	sadd.s32 s14, s11  }
0xe: {  	s17 =	sadd.s32 s14, s17;
	s14 =	sadd.s32 s14, s18;
	s29 =	sadd.s32 s19, s13  }
0xf: {  	s30 =	sadd.s32 s28, s20;
	s18 =	simm.s32 $0x80;
	s19 =	simm.s32 $0x50  }
0x10: {  	s20 =	simm.s32 $0x0;
	s9 =	sshrl.u32 s9, $0x3;
	s11 =	sshrl.u32 s11, $0x3  }
0x11: {  	s17 =	sshrl.u32 s17, $0x3;
	s14 =	sshrl.u32 s14, $0x3;
	s13 =	smax.u32 s16, $0x1  }
0x12: {  	s31 =	sshrl.u32 s30, $0x3;
	s16 =	simm.s32 $0x2880;
	s9 =	sadd.s32 s12, s9  }
0x13: {  	s10 =	sadd.s32 s12, s11;
	s11 =	sadd.s32 s12, s17;
	s12 =	sadd.s32 s12, s14  }
0x14: {  	s14 =	sadd.s32 $0xEF9C00, s29;
	s15 =	sadd.s32 s31, s15;
	s17 =	simm.s32 $0x1  }
.LBB2_1:
0x15: {  	[tilespmem:s16], [sflag:$0x1] =	stream.linear.gather [hbm4b:s4+s3], $0x5000, $0x38;
	[tilespmem:$0x1B880] =	vst v63  }
0x16: {  	_ =	swait.ge [sflag:s17], $0x5000  }
0x17: {  	[sflag:s17] =	ssyncset.done $0x0  }
0x18: {  	[sflag:s17] =	ssyncadd.s32 $0xFFFFB000  }
0x19: {  	[spmem:s5] =	stream.linear.scatter [tilespmem:s16], [sflag:$0x1], $0x5000, $0x38;
	[tilespmem:$0x1B880] =	vst v63  }
0x1a: {  	_ =	swait.ge [sflag:s17], $0x5000  }
0x1b: {  	[sflag:s17] =	ssyncset.done $0x0  }
0x1c: {  	[sflag:s17] =	ssyncadd.s32 $0xFFFFB000  }
0x1d: {  	[spmem:s6] =	stream.linear.scatter [tilespmem:s16], [sflag:$0x1], $0x5000, $0x38;
	[tilespmem:$0x1B880] =	vst v63  }
0x1e: {  	_ =	swait.ge [sflag:s17], $0x5000  }
0x1f: {  	[sflag:s17] =	ssyncset.done $0x0  }
0x20: {  	[sflag:s17] =	ssyncadd.s32 $0xFFFFB000  }
0x21: {  	[spmem:s7] =	stream.linear.scatter [tilespmem:s16], [sflag:$0x1], $0x5000, $0x38;
	[tilespmem:$0x1B880] =	vst v63  }
0x22: {  	_ =	swait.ge [sflag:s17], $0x5000  }
0x23: {  	[sflag:s17] =	ssyncset.done $0x0  }
0x24: {  	[sflag:s17] =	ssyncadd.s32 $0xFFFFB000  }
0x25: {  	[spmem:s8] =	stream.linear.scatter [tilespmem:s16], [sflag:$0x1], $0x5000, $0x38;
	[tilespmem:$0x1B880] =	vst v63  }
0x26: {  	_ =	swait.ge [sflag:s17], $0x5000  }
0x27: {  	[sflag:s17] =	ssyncset.done $0x0  }
0x28: {  	[sflag:s17] =	ssyncadd.s32 $0xFFFFB000  }
0x29: {  	s21 =	sadd.s32 $0x0, s15;
	[bflag:$0x0] =	sbarrier.arrive $0xFFFF  }
0x2a: {  	[tilespmem:s3], [sflag:$0x1] =	stream.linear.gather [hbm4b:s21+s3], $0x50, $0x38;
	[tilespmem:$0x1B880] =	vst v63  }
0x2b: {  	_ =	swait.ge [sflag:s17], $0x50  }
0x2c: {  	[sflag:s17] =	ssyncset.done $0x0  }
0x2d: {  	[sflag:s17] =	ssyncadd.s32 $0xFFFFFFB0  }
0x2e: {  	[tilespmem:s18], [sflag:$0x1] =	stream.linear.gather [hbm4b:s14+s3], $0x2800, $0x38;
	[tilespmem:$0x1B880] =	vst v63  }
0x2f: {  	_ =	swait.ge [sflag:s17], $0x2800  }
0x30: {  	[sflag:s17] =	ssyncset.done $0x0  }
0x31: {  	[sflag:s17] =	ssyncadd.s32 $0xFFFFD800  }
0x32: {  	[spmem:s2] =	stream.indirect.scatter.add.f32 [tilespmem:s18], [sflag:$0x1], $0x80, s3, s19, $0xb8;
	[tilespmem:$0x1B880] =	vst v63  }
0x33: {  	s22 =	simm.s32 $0xA;
	_ =	swait.ge [sflag:s17], $0x2800  }
0x34: {  	s23 =	simm.s32 $0x14;
	s21 =	sadd.s32 $0x500, s14;
	[sflag:s17] =	ssyncset.done $0x0  }
.LBB2_2:
0x35: {  	s24 =	sadd.s32 s22, s15  }
0x36: {  	[sflag:s17] =	ssyncadd.s32 $0xFFFFD800;
	s22 =	smov.u32 s23;
	s25 =	sadd.s32 $0xA, s23  }
0x37: {  	[tilespmem:s3], [sflag:$0x1] =	stream.linear.gather [hbm4b:s24+s3], $0x50, $0x38;
	[tilespmem:$0x1B880] =	vst v63  }
0x38: {  	p0 =	sne.s32 s23, $0x4D8;
	_ =	swait.ge [sflag:s17], $0x50  }
0x39: {  	[sflag:s17] =	ssyncset.done $0x0  }
0x3a: {  	[sflag:s17] =	ssyncadd.s32 $0xFFFFFFB0  }
0x3b: {  	[tilespmem:s18], [sflag:$0x1] =	stream.linear.gather [hbm4b:s21+s3], $0x2800, $0x38;
	[tilespmem:$0x1B880] =	vst v63  }
0x3c: {  	_ =	swait.ge [sflag:s17], $0x2800  }
.Ltmp0:
0x3d: {  	[sflag:s17] =	ssyncset.done $0x0;
	(pc) =	sbr.rel @p0 .LBB2_2-.Ltmp0, $4  }
0x3e: {  	[sflag:s17] =	ssyncadd.s32 $0xFFFFD800  }
0x3f: {  	[spmem:s2] =	stream.indirect.scatter.add.f32 [tilespmem:s18], [sflag:$0x1], $0x80, s3, s19, $0xb8;
	[tilespmem:$0x1B880] =	vst v63  }
0x40: {  	_ =	swait.ge [sflag:s17], $0x2800  }
0x41: {  	s23 =	smov.u32 s25;
	s21 =	sadd.s32 $0x500, s21;
	[sflag:s17] =	ssyncset.done $0x0  }
0x42: {  	s22 =	sadd.s32 s22, s15;
	[sflag:s17] =	ssyncadd.s32 $0xFFFFD800  }
0x43: {  	[tilespmem:s3], [sflag:$0x1] =	stream.linear.gather [hbm4b:s22+s3], $0x50, $0x38;
	[tilespmem:$0x1B880] =	vst v63  }
0x44: {  	_ =	swait.ge [sflag:s17], $0x50  }
0x45: {  	[sflag:s17] =	ssyncset.done $0x0  }
0x46: {  	[sflag:s17] =	ssyncadd.s32 $0xFFFFFFB0  }
0x47: {  	[tilespmem:s18], [sflag:$0x1] =	stream.linear.gather [hbm4b:s21+s3], $0x2800, $0x38;
	[tilespmem:$0x1B880] =	vst v63  }
0x48: {  	_ =	swait.ge [sflag:s17], $0x2800  }
0x49: {  	[sflag:s17] =	ssyncset.done $0x0  }
0x4a: {  	[sflag:s17] =	ssyncadd.s32 $0xFFFFD800  }
0x4b: {  	[spmem:s2] =	stream.indirect.scatter.add.f32 [tilespmem:s18], [sflag:$0x1], $0x80, s3, s19, $0xb8;
	[tilespmem:$0x1B880] =	vst v63  }
0x4c: {  	_ =	swait.ge [sflag:s17], $0x2800  }
0x4d: {  	[sflag:s17] =	ssyncset.done $0x0  }
0x4e: {  	[sflag:s17] =	ssyncadd.s32 $0xFFFFD800  }
0x4f: {  	[bflag:$0x0] =	sbarrier.arrive $0xFFFF  }
0x50: {  	[tilespmem:s16], [sflag:$0x1] =	stream.linear.gather [spmem:s5], $0x5000, $0x38;
	[tilespmem:$0x1B880] =	vst v63  }
0x51: {  	_ =	swait.ge [sflag:s17], $0x5000  }
0x52: {  	[sflag:s17] =	ssyncset.done $0x0  }
0x53: {  	[sflag:s17] =	ssyncadd.s32 $0xFFFFB000  }
0x54: {  	[hbm4b:s9+s3] =	stream.linear.scatter [tilespmem:s16], [sflag:$0x1], $0x5000, $0x38;
	[tilespmem:$0x1B880] =	vst v63  }
0x55: {  	_ =	swait.ge [sflag:s17], $0x5000  }
0x56: {  	[sflag:s17] =	ssyncset.done $0x0  }
0x57: {  	[sflag:s17] =	ssyncadd.s32 $0xFFFFB000  }
0x58: {  	[tilespmem:s16], [sflag:$0x1] =	stream.linear.gather [spmem:s6], $0x5000, $0x38;
	[tilespmem:$0x1B880] =	vst v63  }
0x59: {  	_ =	swait.ge [sflag:s17], $0x5000  }
0x5a: {  	[sflag:s17] =	ssyncset.done $0x0  }
0x5b: {  	[sflag:s17] =	ssyncadd.s32 $0xFFFFB000  }
0x5c: {  	[hbm4b:s10+s3] =	stream.linear.scatter [tilespmem:s16], [sflag:$0x1], $0x5000, $0x38;
	[tilespmem:$0x1B880] =	vst v63  }
0x5d: {  	_ =	swait.ge [sflag:s17], $0x5000  }
0x5e: {  	[sflag:s17] =	ssyncset.done $0x0  }
0x5f: {  	[sflag:s17] =	ssyncadd.s32 $0xFFFFB000  }
0x60: {  	[tilespmem:s16], [sflag:$0x1] =	stream.linear.gather [spmem:s7], $0x5000, $0x38;
	[tilespmem:$0x1B880] =	vst v63  }
0x61: {  	_ =	swait.ge [sflag:s17], $0x5000  }
0x62: {  	[sflag:s17] =	ssyncset.done $0x0  }
0x63: {  	[sflag:s17] =	ssyncadd.s32 $0xFFFFB000  }
0x64: {  	[hbm4b:s11+s3] =	stream.linear.scatter [tilespmem:s16], [sflag:$0x1], $0x5000, $0x38;
	[tilespmem:$0x1B880] =	vst v63  }
0x65: {  	_ =	swait.ge [sflag:s17], $0x5000  }
0x66: {  	[sflag:s17] =	ssyncset.done $0x0  }
0x67: {  	[sflag:s17] =	ssyncadd.s32 $0xFFFFB000  }
0x68: {  	[tilespmem:s16], [sflag:$0x1] =	stream.linear.gather [spmem:s8], $0x5000, $0x38;
	[tilespmem:$0x1B880] =	vst v63  }
0x69: {  	s20 =	sadd.s32 $0x1, s20;
	_ =	swait.ge [sflag:s17], $0x5000  }
0x6a: {  	p0 =	sne.s32 s20, s13;
	[sflag:s17] =	ssyncset.done $0x0  }
.Ltmp1:
0x6b: {  	[sflag:s17] =	ssyncadd.s32 $0xFFFFB000;
	(pc) =	sbr.rel @p0 .LBB2_1-.Ltmp1, $4  }
0x6c: {  	[hbm4b:s12+s3] =	stream.linear.scatter [tilespmem:s16], [sflag:$0x1], $0x5000, $0x38;
	[tilespmem:$0x1B880] =	vst v63  }
0x6d: {  	_ =	swait.ge [sflag:s17], $0x5000  }
0x6e: {  	[sflag:s17] =	ssyncset.done $0x0  }
0x6f: {  	[sflag:s17] =	ssyncadd.s32 $0xFFFFB000  }
0x70: {  	_ =	sfence.sel $0x180000  }
0x71: {  	[bflag:$0x0] =	sbarrier.arrive $0xFFFF  }
0x72: {  	p0 =	sne.s32 s1, $0x0;
	_ =	strace $0x90000050  }
0x73: {  	s0 =	sadd.s32 @!p0 $0x100000, s0;
	[bflag:$0x2] =	sbarrier.arrive $0xFFFF  }
0x74: {  	[sflag:s0] =	ssyncadd.tile.s32 @!p0 $0x1;
	_ =	shalt  }
.Lfunc_end2:
_tile_overlayer_lowered:
.L_overlay_start_2:
0x75: {  	(tag) =	ssettag $0x2  }
0x76: {  	s0 =	rddreg [dreg:$0x0];
	s2 =	stileid.u32  }
0x77: {  	s1 =	rddreg [dreg:$0x1];
	p0 =	sne.s32 s2, $0x0  }
0x78: {  	s3 =	rddreg [dreg:$0x2];
	[bflag:$0x3] =	sbarrier.arrive $0xFFFF;
	s2 =	simm.s32 @!p0 $0x1C01  }
0x79: {  	[timem:s3], [sflag:s2] =	dma.local @!p0 [hbm:s0], s1  }
0x7a: {  	s0 =	simm.s32 @!p0 $0x1  }
0x7b: {  	_ =	swait.ge @!p0 [sflag:s0], s1  }
0x7c: {  	s1 =	ssub.s32 @!p0 $0x0, s1;
	[sflag:s0] =	ssyncset.done @!p0 $0x0  }
0x7d: {  	[sflag:s0] =	ssyncadd.s32 @!p0 s1  }
0x7e: {  	[bflag:$0x3] =	sbarrier.arrive $0xFFFF  }
0x7f: {  	_ =	shalt  }

</sc_bundles>
